<compile_context>
chip_gen: v7x
topology: tpu7x:2x2x1
jax: 0.10.2.dev20260603
libtpu: 0.0.44.dev20260713+nightly
codegen_flags: <defaults>
</compile_context>

<pallas_src>
import functools

import jax
import jax.numpy as jnp
from jax import lax
from jax.experimental import pallas as pl
from jax.experimental.pallas import tpu as pltpu
from jax.experimental.pallas import tpu_sc as plsc

N = 10000
E = 320000
D = 128
NC = 2
NS = 16
NW = NC * NS
EPW = E // NW
K = 80
NCH = EPW // K
GRP = 5
NG = NCH // GRP
NP = 10240
RPT = NP // NS


def _phase0(x, Wm, A8):
    bn = 1000

    def body(x_ref, w_ref, a_ref, h_ref, s_ref):
        xb = x_ref[...]
        h_ref[...] = jnp.dot(xb, w_ref[...], preferred_element_type=jnp.float32)
        m = lax.dot_general(a_ref[...], xb, (((1,), (1,)), ((), ())),
                            preferred_element_type=jnp.float32)
        s_ref[...] = m[None]

    return pl.pallas_call(
        body,
        grid=(N // bn,),
        in_specs=[pl.BlockSpec((bn, D), lambda i: (i, 0)),
                  pl.BlockSpec((D, D), lambda i: (0, 0)),
                  pl.BlockSpec((8, D), lambda i: (0, 0))],
        out_specs=[pl.BlockSpec((bn, D), lambda i: (i, 0)),
                   pl.BlockSpec((1, 8, bn), lambda i: (i, 0, 0))],
        out_shape=[jax.ShapeDtypeStruct((N, D), jnp.float32),
                   jax.ShapeDtypeStruct((N // bn, 8, bn), jnp.float32)],
    )(x, Wm, A8)


def _make_edge_kernel():
    mesh = plsc.VectorSubcoreMesh(core_axis_name="c", subcore_axis_name="s")

    @functools.partial(
        pl.kernel,
        mesh=mesh,
        compiler_params=pltpu.CompilerParams(needs_layout_passes=False),
        out_type=[jax.ShapeDtypeStruct((NC, NP, D), jnp.float32),
                  jax.ShapeDtypeStruct((NW, 1, N), jnp.float32)],
        scratch_types=[
            pltpu.VMEM((GRP, 1, 2 * K), jnp.int32),
            pltpu.VMEM((K,), jnp.int32),
            pltpu.VMEM((K,), jnp.int32),
            pltpu.VMEM((N,), jnp.float32),
            pltpu.VMEM((N,), jnp.float32),
            pltpu.VMEM((K,), jnp.float32),
            pltpu.VMEM((K, D), jnp.float32),
            pltpu.VMEM((1, N), jnp.float32),
            pltpu.VMEM_SHARED((NP, D), jnp.float32),
            pltpu.SemaphoreType.DMA,
        ])
    def edge_kernel(sd_hbm, tsrc_hbm, tdst_hbm, h_hbm,
                    numer_hbm, denom_hbm,
                    sd_g, src_c, dst_c, tsrc, tdst, wbuf, rows,
                    dvec, numer_s, sem):
        cid = lax.axis_index("c")
        sid = lax.axis_index("s")
        wid = sid * NC + cid
        base = sid * RPT

        pltpu.sync_copy(tsrc_hbm, tsrc)
        pltpu.sync_copy(tdst_hbm, tdst)

        zv = jnp.zeros((16,), jnp.float32)

        def zdv(i, _):
            dvec[0, pl.ds(i * 16, 16)] = zv
            return 0

        lax.fori_loop(0, N // 16, zdv, 0)

        def zrow(r, _):
            for cc in range(D // 16):
                rows[r, pl.ds(cc * 16, 16)] = zv
            return 0

        lax.fori_loop(0, K, zrow, 0)

        def zcopy(j, _):
            pltpu.sync_copy(rows, numer_s.at[pl.ds(base + j * K, K)])
            return 0

        lax.fori_loop(0, RPT // K, zcopy, 0)
        plsc.subcore_barrier()

        zi = jnp.zeros((16,), jnp.int32)

        def group(g, _):
            pltpu.sync_copy(sd_hbm.at[wid, g], sd_g)

            def chunk(j, _):
                for v in range(K // 16):
                    src_c[pl.ds(v * 16, 16)] = sd_g[j, 0, pl.ds(v * 16, 16)]
                    dst_c[pl.ds(v * 16, 16)] = sd_g[j, 0, pl.ds(K + v * 16, 16)]
                cp = pltpu.async_copy(h_hbm.at[src_c], rows, sem)
                for v in range(K // 16):
                    s16 = src_c[pl.ds(v * 16, 16)]
                    d16 = dst_c[pl.ds(v * 16, 16)]
                    a_s = plsc.load_gather(tsrc, [s16])
                    ad_d = plsc.load_gather(tdst, [d16])
                    as_d = plsc.load_gather(tsrc, [d16])
                    e = a_s + ad_d
                    e = jnp.where(e >= 0.0, e, 0.2 * e)
                    c = as_d + ad_d
                    c = jnp.where(c >= 0.0, c, 0.2 * c)
                    w = jnp.exp(e - c)
                    wbuf[pl.ds(v * 16, 16)] = w
                    plsc.addupdate_scatter(dvec, [zi, d16], w)
                cp.wait()

                def srow(q, _):
                    for u in range(4):
                        r = q * 4 + u
                        wr = plsc.load_gather(wbuf, [jnp.full((16,), r, jnp.int32)])
                        for cc in range(D // 16):
                            rows[r, pl.ds(cc * 16, 16)] = rows[r, pl.ds(cc * 16, 16)] * wr
                    return 0

                lax.fori_loop(0, K // 4, srow, 0)
                pltpu.sync_copy(rows, numer_s.at[dst_c], add=True)
                return 0

            lax.fori_loop(0, GRP, chunk, 0)
            return 0

        lax.fori_loop(0, NG, group, 0)
        plsc.subcore_barrier()

        pltpu.sync_copy(numer_s.at[pl.ds(base, RPT)],
                        numer_hbm.at[cid, pl.ds(base, RPT)])
        pltpu.sync_copy(dvec, denom_hbm.at[wid])

    return edge_kernel


def _phase2(numer, denom_t, h, bias2, lnw2, lnb2):
    bn = 1000

    def body(n_ref, d_ref, h_ref, b_ref, w_ref, bb_ref, o_ref):
        num = n_ref[0] + n_ref[1] + h_ref[...]
        den = jnp.sum(d_ref[...], axis=-1, keepdims=True) + 1.0
        s = num / (den + 1e-16) + b_ref[...]
        mean = jnp.mean(s, axis=-1, keepdims=True)
        var = jnp.mean((s - mean) ** 2, axis=-1, keepdims=True)
        o_ref[...] = (s - mean) / jnp.sqrt(var + 1e-5) * w_ref[...] + bb_ref[...]

    return pl.pallas_call(
        body,
        grid=(N // bn,),
        in_specs=[pl.BlockSpec((NC, bn, D), lambda i: (0, i, 0)),
                  pl.BlockSpec((bn, NW), lambda i: (i, 0)),
                  pl.BlockSpec((bn, D), lambda i: (i, 0)),
                  pl.BlockSpec((1, D), lambda i: (0, 0)),
                  pl.BlockSpec((1, D), lambda i: (0, 0)),
                  pl.BlockSpec((1, D), lambda i: (0, 0))],
        out_specs=pl.BlockSpec((bn, D), lambda i: (i, 0)),
        out_shape=jax.ShapeDtypeStruct((N, D), jnp.float32),
    )(numer, denom_t, h, bias2, lnw2, lnb2)


def kernel(x, edge_index, W, att_src, att_dst, bias, ln_w, ln_b):
    ei = edge_index.astype(jnp.int32)
    sd = jnp.concatenate(
        [ei[0].reshape(NW, NG, GRP, 1, K), ei[1].reshape(NW, NG, GRP, 1, K)],
        axis=-1)
    w_src = W @ att_src
    w_dst = W @ att_dst
    A8 = jnp.concatenate(
        [w_src[None], w_dst[None], jnp.zeros((6, D), jnp.float32)], axis=0)
    h, scal3 = _phase0(x, W, A8)
    tsrc = scal3[:, 0, :].reshape(N)
    tdst = scal3[:, 1, :].reshape(N)
    numer, denom = _make_edge_kernel()(sd, tsrc, tdst, h)
    denom_t = denom.reshape(NW, N).T
    return _phase2(numer, denom_t, h, bias[None, :], ln_w[None, :], ln_b[None, :])

# --- scband reference (transcript-rebuilt; emitter-appended) ---
"""Pipeline reference for scband-modal-gatlayer-47519518163349 (READ-ONLY COPY).

The authoritative reference and input builder live on the scoring server;
editing this copy changes nothing except your own understanding.
"""

import jax, jax.numpy as jnp
import numpy as np

N = 10000
E = 320000
D_IN = 128
D_OUT = 128


def setup_inputs(seed: int = 0) -> dict:
    key = jax.random.key(seed)
    ks = jax.random.split(key, 8)
    x = jax.random.normal(ks[0], (N, D_IN), dtype=jnp.float32)
    edge_index = jax.random.randint(ks[1], (2, E), 0, N, dtype=jnp.int64)
    # GATConv params (heads=1): lin weight, attention vectors, bias
    W = jax.random.normal(ks[2], (D_IN, D_OUT), dtype=jnp.float32) * (1.0 / np.sqrt(D_IN))
    att_src = jax.random.normal(ks[3], (D_OUT,), dtype=jnp.float32) * (1.0 / np.sqrt(D_OUT))
    att_dst = jax.random.normal(ks[4], (D_OUT,), dtype=jnp.float32) * (1.0 / np.sqrt(D_OUT))
    bias = jnp.zeros((D_OUT,), dtype=jnp.float32)
    # LayerNorm params
    ln_w = jnp.ones((D_OUT,), dtype=jnp.float32)
    ln_b = jnp.zeros((D_OUT,), dtype=jnp.float32)
    return {"x": x, "edge_index": edge_index, "W": W, "att_src": att_src,
            "att_dst": att_dst, "bias": bias, "ln_w": ln_w, "ln_b": ln_b}


def reference(x, edge_index, W, att_src, att_dst, bias, ln_w, ln_b):
    n = x.shape[0]
    h = x @ W  # [N, D_OUT]
    # add self loops (GATConv default add_self_loops=True)
    loop = jnp.arange(n, dtype=edge_index.dtype)
    src = jnp.concatenate([edge_index[0], loop])
    dst = jnp.concatenate([edge_index[1], loop])
    a_src = (h * att_src).sum(-1)  # [N]
    a_dst = (h * att_dst).sum(-1)  # [N]
    e = a_src[src] + a_dst[dst]
    e = jax.nn.leaky_relu(e, negative_slope=0.2)
    # softmax over incoming edges of each dst node
    e_max = jax.ops.segment_max(e, dst, num_segments=n)
    e_exp = jnp.exp(e - e_max[dst])
    denom = jax.ops.segment_sum(e_exp, dst, num_segments=n)
    alpha = e_exp / (denom[dst] + 1e-16)
    out = jax.ops.segment_sum(alpha[:, None] * h[src], dst, num_segments=n)
    out = out + bias
    # LayerNorm (eps=1e-5, elementwise affine)
    mean = out.mean(axis=-1, keepdims=True)
    var = ((out - mean) ** 2).mean(axis=-1, keepdims=True)
    out = (out - mean) / jnp.sqrt(var + 1e-5) * ln_w + ln_b
    return out

if __name__ == "__main__":
    import jax
    _d = setup_inputs()
    print(jax.jit(kernel)(*tuple(_d.values())))

</pallas_src>

<mosaic_0001>
#map = affine_map<(d0, d1) -> (0, 0, 0, 0, 0)>
#map1 = affine_map<(d0, d1) -> (0)>
#map2 = affine_map<(d0, d1) -> (0, 0)>
#map3 = affine_map<(d0, d1) -> (0, 0, 0)>
module attributes {stable_mosaic.version = 14 : i64} {
  func.func @edge_kernel(%arg0: i32, %arg1: i32, %arg2: memref<32x25x5x1x160xi32, #tpu.memory_space<hbm>>, %arg3: memref<10000xf32, #tpu.memory_space<hbm>>, %arg4: memref<10000xf32, #tpu.memory_space<hbm>>, %arg5: memref<10000x128xf32, #tpu.memory_space<hbm>>, %arg6: memref<2x10240x128xf32, #tpu.memory_space<hbm>>, %arg7: memref<32x1x10000xf32, #tpu.memory_space<hbm>>, %arg8: memref<5x1x160xi32, #tpu.memory_space<vmem>>, %arg9: memref<80xi32, #tpu.memory_space<vmem>>, %arg10: memref<80xi32, #tpu.memory_space<vmem>>, %arg11: memref<10000xf32, #tpu.memory_space<vmem>>, %arg12: memref<10000xf32, #tpu.memory_space<vmem>>, %arg13: memref<80xf32, #tpu.memory_space<vmem>>, %arg14: memref<80x128xf32, #tpu.memory_space<vmem>>, %arg15: memref<1x10000xf32, #tpu.memory_space<vmem>>, %arg16: memref<10240x128xf32, #tpu.memory_space<vmem_shared>>, %arg17: memref<!tpu.dma_semaphore, #tpu.memory_space<semaphore_mem>>) attributes {dimension_semantics = [#tpu.dimension_semantics<core_parallel>, #tpu.dimension_semantics<subcore_parallel>], iteration_bounds = array<i64: 2, 16>, scalar_prefetch = 0 : i64, scratch_operands = 10 : i64, tpu.core_type = #tpu.core_type<sc_vector_subcore>, window_params = [{transform_indices = #map}, {transform_indices = #map1}, {transform_indices = #map1}, {transform_indices = #map2}, {transform_indices = #map3}, {transform_indices = #map3}]} {
    %mul3A = arith.constant 2 : i32
    %mul3A_0 = arith.muli %arg1, %mul3A : i32
    %add3A = arith.addi %mul3A_0, %arg0 : i32
    %mul3A_1 = arith.constant 640 : i32
    %mul3A_2 = arith.muli %arg1, %mul3A_1 : i32
    "tpu.region"() ({
      %run_scoped3A = tpu.sem_alloc : memref<!tpu.dma_semaphore, #tpu.memory_space<semaphore_mem>>
      tpu.enqueue_dma source(%arg3 : memref<10000xf32, #tpu.memory_space<hbm>>) target(%arg11 : memref<10000xf32, #tpu.memory_space<vmem>>) target_semaphore(%run_scoped3A : memref<!tpu.dma_semaphore, #tpu.memory_space<semaphore_mem>>)
      tpu.wait_dma2 semaphore(%run_scoped3A : memref<!tpu.dma_semaphore, #tpu.memory_space<semaphore_mem>>) src(%arg3 : memref<10000xf32, #tpu.memory_space<hbm>>) dst(%arg11 : memref<10000xf32, #tpu.memory_space<vmem>>)
      tpu.yield
    }) : () -> ()
    "tpu.region"() ({
      %run_scoped3A = tpu.sem_alloc : memref<!tpu.dma_semaphore, #tpu.memory_space<semaphore_mem>>
      tpu.enqueue_dma source(%arg4 : memref<10000xf32, #tpu.memory_space<hbm>>) target(%arg12 : memref<10000xf32, #tpu.memory_space<vmem>>) target_semaphore(%run_scoped3A : memref<!tpu.dma_semaphore, #tpu.memory_space<semaphore_mem>>)
      tpu.wait_dma2 semaphore(%run_scoped3A : memref<!tpu.dma_semaphore, #tpu.memory_space<semaphore_mem>>) src(%arg4 : memref<10000xf32, #tpu.memory_space<hbm>>) dst(%arg12 : memref<10000xf32, #tpu.memory_space<vmem>>)
      tpu.yield
    }) : () -> ()
    %broadcast_in_dim3A = arith.constant 0.000000e+00 : f32
    %broadcast_in_dim3A_3 = vector.broadcast %broadcast_in_dim3A : f32 to vector<16xf32>
    %scan3A = arith.constant 0 : i32
    %scan3A_4 = arith.constant 0 : i32
    %scan3A_5 = arith.constant 625 : i32
    %scan3A_6 = arith.addi %scan3A_4, %scan3A_5 : i32
    %scan3A_7 = arith.constant 1 : i32
    %scan3A_8 = scf.for %scan3A_34 = %scan3A_4 to %scan3A_6 step %scan3A_7 iter_args(%scan3A_35 = %scan3A) -> (i32)  : i32 {
      %mul3A_36 = arith.constant 16 : i32
      %mul3A_37 = arith.muli %scan3A_34, %mul3A_36 : i32
      %swap3A = arith.constant 0 : i32
      %swap3A_38 = arith.index_cast %swap3A : i32 to index
      %swap3A_39 = arith.index_cast %mul3A_37 : i32 to index
      %swap3A_40 = tpu.vector_load %arg15[%swap3A_38, %swap3A_39] {strides = array<i32>} : memref<1x10000xf32, #tpu.memory_space<vmem>>, vector<16xf32>,
      tpu.vector_store %arg15[%swap3A_38, %swap3A_39], %broadcast_in_dim3A_3 {strides = array<i32>} : memref<1x10000xf32, #tpu.memory_space<vmem>>, vector<16xf32>,
      %scan3A_41 = arith.constant 0 : i32
      scf.yield %scan3A_41 : i32
    }
    %scan3A_9 = arith.constant 625 : i32
    %scan3A_10 = arith.constant 0 : i32
    %scan3A_11 = arith.constant 0 : i32
    %scan3A_12 = arith.constant 80 : i32
    %scan3A_13 = arith.addi %scan3A_11, %scan3A_12 : i32
    %scan3A_14 = arith.constant 1 : i32
    %scan3A_15 = scf.for %scan3A_34 = %scan3A_11 to %scan3A_13 step %scan3A_14 iter_args(%scan3A_35 = %scan3A_10) -> (i32)  : i32 {
      %swap3A = arith.index_cast %scan3A_34 : i32 to index
      %swap3A_36 = arith.constant 0 : index
      %swap3A_37 = tpu.vector_load %arg14[%swap3A, %swap3A_36] {strides = array<i32>} : memref<80x128xf32, #tpu.memory_space<vmem>>, vector<16xf32>,
      tpu.vector_store %arg14[%swap3A, %swap3A_36], %broadcast_in_dim3A_3 {strides = array<i32>} : memref<80x128xf32, #tpu.memory_space<vmem>>, vector<16xf32>,
      %swap3A_38 = arith.index_cast %scan3A_34 : i32 to index
      %swap3A_39 = arith.constant 16 : index
      %swap3A_40 = tpu.vector_load %arg14[%swap3A_38, %swap3A_39] {strides = array<i32>} : memref<80x128xf32, #tpu.memory_space<vmem>>, vector<16xf32>,
      tpu.vector_store %arg14[%swap3A_38, %swap3A_39], %broadcast_in_dim3A_3 {strides = array<i32>} : memref<80x128xf32, #tpu.memory_space<vmem>>, vector<16xf32>,
      %swap3A_41 = arith.index_cast %scan3A_34 : i32 to index
      %swap3A_42 = arith.constant 32 : index
      %swap3A_43 = tpu.vector_load %arg14[%swap3A_41, %swap3A_42] {strides = array<i32>} : memref<80x128xf32, #tpu.memory_space<vmem>>, vector<16xf32>,
      tpu.vector_store %arg14[%swap3A_41, %swap3A_42], %broadcast_in_dim3A_3 {strides = array<i32>} : memref<80x128xf32, #tpu.memory_space<vmem>>, vector<16xf32>,
      %swap3A_44 = arith.index_cast %scan3A_34 : i32 to index
      %swap3A_45 = arith.constant 48 : index
      %swap3A_46 = tpu.vector_load %arg14[%swap3A_44, %swap3A_45] {strides = array<i32>} : memref<80x128xf32, #tpu.memory_space<vmem>>, vector<16xf32>,
      tpu.vector_store %arg14[%swap3A_44, %swap3A_45], %broadcast_in_dim3A_3 {strides = array<i32>} : memref<80x128xf32, #tpu.memory_space<vmem>>, vector<16xf32>,
      %swap3A_47 = arith.index_cast %scan3A_34 : i32 to index
      %swap3A_48 = arith.constant 64 : index
      %swap3A_49 = tpu.vector_load %arg14[%swap3A_47, %swap3A_48] {strides = array<i32>} : memref<80x128xf32, #tpu.memory_space<vmem>>, vector<16xf32>,
      tpu.vector_store %arg14[%swap3A_47, %swap3A_48], %broadcast_in_dim3A_3 {strides = array<i32>} : memref<80x128xf32, #tpu.memory_space<vmem>>, vector<16xf32>,
      %swap3A_50 = arith.index_cast %scan3A_34 : i32 to index
      %swap3A_51 = arith.constant 80 : index
      %swap3A_52 = tpu.vector_load %arg14[%swap3A_50, %swap3A_51] {strides = array<i32>} : memref<80x128xf32, #tpu.memory_space<vmem>>, vector<16xf32>,
      tpu.vector_store %arg14[%swap3A_50, %swap3A_51], %broadcast_in_dim3A_3 {strides = array<i32>} : memref<80x128xf32, #tpu.memory_space<vmem>>, vector<16xf32>,
      %swap3A_53 = arith.index_cast %scan3A_34 : i32 to index
      %swap3A_54 = arith.constant 96 : index
      %swap3A_55 = tpu.vector_load %arg14[%swap3A_53, %swap3A_54] {strides = array<i32>} : memref<80x128xf32, #tpu.memory_space<vmem>>, vector<16xf32>,
      tpu.vector_store %arg14[%swap3A_53, %swap3A_54], %broadcast_in_dim3A_3 {strides = array<i32>} : memref<80x128xf32, #tpu.memory_space<vmem>>, vector<16xf32>,
      %swap3A_56 = arith.index_cast %scan3A_34 : i32 to index
      %swap3A_57 = arith.constant 112 : index
      %swap3A_58 = tpu.vector_load %arg14[%swap3A_56, %swap3A_57] {strides = array<i32>} : memref<80x128xf32, #tpu.memory_space<vmem>>, vector<16xf32>,
      tpu.vector_store %arg14[%swap3A_56, %swap3A_57], %broadcast_in_dim3A_3 {strides = array<i32>} : memref<80x128xf32, #tpu.memory_space<vmem>>, vector<16xf32>,
      %scan3A_59 = arith.constant 0 : i32
      scf.yield %scan3A_59 : i32
    }
    %scan3A_16 = arith.constant 80 : i32
    %scan3A_17 = arith.constant 0 : i32
    %scan3A_18 = arith.constant 0 : i32
    %scan3A_19 = arith.constant 8 : i32
    %scan3A_20 = arith.addi %scan3A_18, %scan3A_19 : i32
    %scan3A_21 = arith.constant 1 : i32
    %scan3A_22 = scf.for %scan3A_34 = %scan3A_18 to %scan3A_20 step %scan3A_21 iter_args(%scan3A_35 = %scan3A_17) -> (i32)  : i32 {
      %mul3A_36 = arith.constant 80 : i32
      %mul3A_37 = arith.muli %scan3A_34, %mul3A_36 : i32
      %add3A_38 = arith.addi %mul3A_2, %mul3A_37 : i32
      "tpu.region"() ({
        %run_scoped3A = tpu.sem_alloc : memref<!tpu.dma_semaphore, #tpu.memory_space<semaphore_mem>>
        %dma_start3A = arith.constant 0 : i32
        %dma_start3A_40 = tpu.memref_slice %arg16[%add3A_38, %dma_start3A] : memref<10240x128xf32, #tpu.memory_space<vmem_shared>> -> memref<80x128xf32, #tpu.memory_space<vmem_shared>>
        %dma_start3A_41 = arith.constant 0 : i32
        %dma_start3A_42 = tpu.memref_slice %arg16[%add3A_38, %dma_start3A_41] : memref<10240x128xf32, #tpu.memory_space<vmem_shared>> -> memref<80x128xf32, #tpu.memory_space<vmem_shared>>
        tpu.enqueue_dma source(%arg14 : memref<80x128xf32, #tpu.memory_space<vmem>>) target(%dma_start3A_42 : memref<80x128xf32, #tpu.memory_space<vmem_shared>>) target_semaphore(%run_scoped3A : memref<!tpu.dma_semaphore, #tpu.memory_space<semaphore_mem>>)
        %dma_wait3A = arith.constant 0 : i32
        %dma_wait3A_43 = tpu.memref_slice %arg16[%add3A_38, %dma_wait3A] : memref<10240x128xf32, #tpu.memory_space<vmem_shared>> -> memref<80x128xf32, #tpu.memory_space<vmem_shared>>
        %dma_wait3A_44 = arith.constant 0 : i32
        %dma_wait3A_45 = tpu.memref_slice %arg16[%add3A_38, %dma_wait3A_44] : memref<10240x128xf32, #tpu.memory_space<vmem_shared>> -> memref<80x128xf32, #tpu.memory_space<vmem_shared>>
        tpu.wait_dma2 semaphore(%run_scoped3A : memref<!tpu.dma_semaphore, #tpu.memory_space<semaphore_mem>>) src(%arg14 : memref<80x128xf32, #tpu.memory_space<vmem>>) dst(%dma_wait3A_45 : memref<80x128xf32, #tpu.memory_space<vmem_shared>>)
        tpu.yield
      }) : () -> ()
      %scan3A_39 = arith.constant 0 : i32
      scf.yield %scan3A_39 : i32
    }
    %scan3A_23 = arith.constant 8 : i32
    %barrier3A = arith.constant 0 : index
    tpu.barrier barrier_id(%barrier3A)
    %broadcast_in_dim3A_24 = arith.constant 0 : i32
    %broadcast_in_dim3A_25 = vector.broadcast %broadcast_in_dim3A_24 : i32 to vector<16xi32>
    %scan3A_26 = arith.constant 0 : i32
    %scan3A_27 = arith.constant 0 : i32
    %scan3A_28 = arith.constant 25 : i32
    %scan3A_29 = arith.addi %scan3A_27, %scan3A_28 : i32
    %scan3A_30 = arith.constant 1 : i32
    %scan3A_31 = scf.for %scan3A_34 = %scan3A_27 to %scan3A_29 step %scan3A_30 iter_args(%scan3A_35 = %scan3A_26) -> (i32)  : i32 {
      "tpu.region"() ({
        %run_scoped3A = tpu.sem_alloc : memref<!tpu.dma_semaphore, #tpu.memory_space<semaphore_mem>>
        %dma_start3A = arith.constant 0 : i32
        %dma_start3A_44 = arith.constant 0 : i32
        %dma_start3A_45 = arith.constant 0 : i32
        %dma_start3A_46 = tpu.memref_slice %arg2[%add3A, %scan3A_34, %dma_start3A, %dma_start3A_44, %dma_start3A_45] : memref<32x25x5x1x160xi32, #tpu.memory_space<hbm>> -> memref<1x1x5x1x160xi32, #tpu.memory_space<hbm>>
        %dma_start3A_47 = tpu.memref_squeeze %dma_start3A_46 : memref<1x1x5x1x160xi32, #tpu.memory_space<hbm>> -> memref<5x1x160xi32, #tpu.memory_space<hbm>>
        %dma_start3A_48 = arith.constant 0 : i32
        %dma_start3A_49 = arith.constant 0 : i32
        %dma_start3A_50 = arith.constant 0 : i32
        %dma_start3A_51 = tpu.memref_slice %arg2[%add3A, %scan3A_34, %dma_start3A_48, %dma_start3A_49, %dma_start3A_50] : memref<32x25x5x1x160xi32, #tpu.memory_space<hbm>> -> memref<1x1x5x1x160xi32, #tpu.memory_space<hbm>>
        %dma_start3A_52 = tpu.memref_squeeze %dma_start3A_51 : memref<1x1x5x1x160xi32, #tpu.memory_space<hbm>> -> memref<5x1x160xi32, #tpu.memory_space<hbm>>
        tpu.enqueue_dma source(%dma_start3A_52 : memref<5x1x160xi32, #tpu.memory_space<hbm>>) target(%arg8 : memref<5x1x160xi32, #tpu.memory_space<vmem>>) target_semaphore(%run_scoped3A : memref<!tpu.dma_semaphore, #tpu.memory_space<semaphore_mem>>)
        %dma_wait3A = arith.constant 0 : i32
        %dma_wait3A_53 = arith.constant 0 : i32
        %dma_wait3A_54 = arith.constant 0 : i32
        %dma_wait3A_55 = tpu.memref_slice %arg2[%add3A, %scan3A_34, %dma_wait3A, %dma_wait3A_53, %dma_wait3A_54] : memref<32x25x5x1x160xi32, #tpu.memory_space<hbm>> -> memref<1x1x5x1x160xi32, #tpu.memory_space<hbm>>
        %dma_wait3A_56 = tpu.memref_squeeze %dma_wait3A_55 : memref<1x1x5x1x160xi32, #tpu.memory_space<hbm>> -> memref<5x1x160xi32, #tpu.memory_space<hbm>>
        %dma_wait3A_57 = arith.constant 0 : i32
        %dma_wait3A_58 = arith.constant 0 : i32
        %dma_wait3A_59 = arith.constant 0 : i32
        %dma_wait3A_60 = tpu.memref_slice %arg2[%add3A, %scan3A_34, %dma_wait3A_57, %dma_wait3A_58, %dma_wait3A_59] : memref<32x25x5x1x160xi32, #tpu.memory_space<hbm>> -> memref<1x1x5x1x160xi32, #tpu.memory_space<hbm>>
        %dma_wait3A_61 = tpu.memref_squeeze %dma_wait3A_60 : memref<1x1x5x1x160xi32, #tpu.memory_space<hbm>> -> memref<5x1x160xi32, #tpu.memory_space<hbm>>
        tpu.wait_dma2 semaphore(%run_scoped3A : memref<!tpu.dma_semaphore, #tpu.memory_space<semaphore_mem>>) src(%dma_wait3A_61 : memref<5x1x160xi32, #tpu.memory_space<hbm>>) dst(%arg8 : memref<5x1x160xi32, #tpu.memory_space<vmem>>)
        tpu.yield
      }) : () -> ()
      %scan3A_36 = arith.constant 0 : i32
      %scan3A_37 = arith.constant 0 : i32
      %scan3A_38 = arith.constant 5 : i32
      %scan3A_39 = arith.addi %scan3A_37, %scan3A_38 : i32
      %scan3A_40 = arith.constant 1 : i32
      %scan3A_41 = scf.for %scan3A_44 = %scan3A_37 to %scan3A_39 step %scan3A_40 iter_args(%scan3A_45 = %scan3A_36) -> (i32)  : i32 {
        %get3A = arith.constant 0 : i32
        %get3A_46 = arith.index_cast %scan3A_44 : i32 to index
        %get3A_47 = arith.index_cast %get3A : i32 to index
        %get3A_48 = arith.constant 0 : index
        %get3A_49 = tpu.vector_load %arg8[%get3A_46, %get3A_47, %get3A_48] {strides = array<i32>} : memref<5x1x160xi32, #tpu.memory_space<vmem>>, vector<16xi32>,
        %swap3A = arith.constant 0 : index
        %swap3A_50 = tpu.vector_load %arg9[%swap3A] {strides = array<i32>} : memref<80xi32, #tpu.memory_space<vmem>>, vector<16xi32>,
        tpu.vector_store %arg9[%swap3A], %get3A_49 {strides = array<i32>} : memref<80xi32, #tpu.memory_space<vmem>>, vector<16xi32>,
        %get3A_51 = arith.constant 0 : i32
        %get3A_52 = arith.index_cast %scan3A_44 : i32 to index
        %get3A_53 = arith.index_cast %get3A_51 : i32 to index
        %get3A_54 = arith.constant 80 : index
        %get3A_55 = tpu.vector_load %arg8[%get3A_52, %get3A_53, %get3A_54] {strides = array<i32>} : memref<5x1x160xi32, #tpu.memory_space<vmem>>, vector<16xi32>,
        %swap3A_56 = arith.constant 0 : index
        %swap3A_57 = tpu.vector_load %arg10[%swap3A_56] {strides = array<i32>} : memref<80xi32, #tpu.memory_space<vmem>>, vector<16xi32>,
        tpu.vector_store %arg10[%swap3A_56], %get3A_55 {strides = array<i32>} : memref<80xi32, #tpu.memory_space<vmem>>, vector<16xi32>,
        %get3A_58 = arith.constant 0 : i32
        %get3A_59 = arith.index_cast %scan3A_44 : i32 to index
        %get3A_60 = arith.index_cast %get3A_58 : i32 to index
        %get3A_61 = arith.constant 16 : index
        %get3A_62 = tpu.vector_load %arg8[%get3A_59, %get3A_60, %get3A_61] {strides = array<i32>} : memref<5x1x160xi32, #tpu.memory_space<vmem>>, vector<16xi32>,
        %swap3A_63 = arith.constant 16 : index
        %swap3A_64 = tpu.vector_load %arg9[%swap3A_63] {strides = array<i32>} : memref<80xi32, #tpu.memory_space<vmem>>, vector<16xi32>,
        tpu.vector_store %arg9[%swap3A_63], %get3A_62 {strides = array<i32>} : memref<80xi32, #tpu.memory_space<vmem>>, vector<16xi32>,
        %get3A_65 = arith.constant 0 : i32
        %get3A_66 = arith.index_cast %scan3A_44 : i32 to index
        %get3A_67 = arith.index_cast %get3A_65 : i32 to index
        %get3A_68 = arith.constant 96 : index
        %get3A_69 = tpu.vector_load %arg8[%get3A_66, %get3A_67, %get3A_68] {strides = array<i32>} : memref<5x1x160xi32, #tpu.memory_space<vmem>>, vector<16xi32>,
        %swap3A_70 = arith.constant 16 : index
        %swap3A_71 = tpu.vector_load %arg10[%swap3A_70] {strides = array<i32>} : memref<80xi32, #tpu.memory_space<vmem>>, vector<16xi32>,
        tpu.vector_store %arg10[%swap3A_70], %get3A_69 {strides = array<i32>} : memref<80xi32, #tpu.memory_space<vmem>>, vector<16xi32>,
        %get3A_72 = arith.constant 0 : i32
        %get3A_73 = arith.index_cast %scan3A_44 : i32 to index
        %get3A_74 = arith.index_cast %get3A_72 : i32 to index
        %get3A_75 = arith.constant 32 : index
        %get3A_76 = tpu.vector_load %arg8[%get3A_73, %get3A_74, %get3A_75] {strides = array<i32>} : memref<5x1x160xi32, #tpu.memory_space<vmem>>, vector<16xi32>,
        %swap3A_77 = arith.constant 32 : index
        %swap3A_78 = tpu.vector_load %arg9[%swap3A_77] {strides = array<i32>} : memref<80xi32, #tpu.memory_space<vmem>>, vector<16xi32>,
        tpu.vector_store %arg9[%swap3A_77], %get3A_76 {strides = array<i32>} : memref<80xi32, #tpu.memory_space<vmem>>, vector<16xi32>,
        %get3A_79 = arith.constant 0 : i32
        %get3A_80 = arith.index_cast %scan3A_44 : i32 to index
        %get3A_81 = arith.index_cast %get3A_79 : i32 to index
        %get3A_82 = arith.constant 112 : index
        %get3A_83 = tpu.vector_load %arg8[%get3A_80, %get3A_81, %get3A_82] {strides = array<i32>} : memref<5x1x160xi32, #tpu.memory_space<vmem>>, vector<16xi32>,
        %swap3A_84 = arith.constant 32 : index
        %swap3A_85 = tpu.vector_load %arg10[%swap3A_84] {strides = array<i32>} : memref<80xi32, #tpu.memory_space<vmem>>, vector<16xi32>,
        tpu.vector_store %arg10[%swap3A_84], %get3A_83 {strides = array<i32>} : memref<80xi32, #tpu.memory_space<vmem>>, vector<16xi32>,
        %get3A_86 = arith.constant 0 : i32
        %get3A_87 = arith.index_cast %scan3A_44 : i32 to index
        %get3A_88 = arith.index_cast %get3A_86 : i32 to index
        %get3A_89 = arith.constant 48 : index
        %get3A_90 = tpu.vector_load %arg8[%get3A_87, %get3A_88, %get3A_89] {strides = array<i32>} : memref<5x1x160xi32, #tpu.memory_space<vmem>>, vector<16xi32>,
        %swap3A_91 = arith.constant 48 : index
        %swap3A_92 = tpu.vector_load %arg9[%swap3A_91] {strides = array<i32>} : memref<80xi32, #tpu.memory_space<vmem>>, vector<16xi32>,
        tpu.vector_store %arg9[%swap3A_91], %get3A_90 {strides = array<i32>} : memref<80xi32, #tpu.memory_space<vmem>>, vector<16xi32>,
        %get3A_93 = arith.constant 0 : i32
        %get3A_94 = arith.index_cast %scan3A_44 : i32 to index
        %get3A_95 = arith.index_cast %get3A_93 : i32 to index
        %get3A_96 = arith.constant 128 : index
        %get3A_97 = tpu.vector_load %arg8[%get3A_94, %get3A_95, %get3A_96] {strides = array<i32>} : memref<5x1x160xi32, #tpu.memory_space<vmem>>, vector<16xi32>,
        %swap3A_98 = arith.constant 48 : index
        %swap3A_99 = tpu.vector_load %arg10[%swap3A_98] {strides = array<i32>} : memref<80xi32, #tpu.memory_space<vmem>>, vector<16xi32>,
        tpu.vector_store %arg10[%swap3A_98], %get3A_97 {strides = array<i32>} : memref<80xi32, #tpu.memory_space<vmem>>, vector<16xi32>,
        %get3A_100 = arith.constant 0 : i32
        %get3A_101 = arith.index_cast %scan3A_44 : i32 to index
        %get3A_102 = arith.index_cast %get3A_100 : i32 to index
        %get3A_103 = arith.constant 64 : index
        %get3A_104 = tpu.vector_load %arg8[%get3A_101, %get3A_102, %get3A_103] {strides = array<i32>} : memref<5x1x160xi32, #tpu.memory_space<vmem>>, vector<16xi32>,
        %swap3A_105 = arith.constant 64 : index
        %swap3A_106 = tpu.vector_load %arg9[%swap3A_105] {strides = array<i32>} : memref<80xi32, #tpu.memory_space<vmem>>, vector<16xi32>,
        tpu.vector_store %arg9[%swap3A_105], %get3A_104 {strides = array<i32>} : memref<80xi32, #tpu.memory_space<vmem>>, vector<16xi32>,
        %get3A_107 = arith.constant 0 : i32
        %get3A_108 = arith.index_cast %scan3A_44 : i32 to index
        %get3A_109 = arith.index_cast %get3A_107 : i32 to index
        %get3A_110 = arith.constant 144 : index
        %get3A_111 = tpu.vector_load %arg8[%get3A_108, %get3A_109, %get3A_110] {strides = array<i32>} : memref<5x1x160xi32, #tpu.memory_space<vmem>>, vector<16xi32>,
        %swap3A_112 = arith.constant 64 : index
        %swap3A_113 = tpu.vector_load %arg10[%swap3A_112] {strides = array<i32>} : memref<80xi32, #tpu.memory_space<vmem>>, vector<16xi32>,
        tpu.vector_store %arg10[%swap3A_112], %get3A_111 {strides = array<i32>} : memref<80xi32, #tpu.memory_space<vmem>>, vector<16xi32>,
        %dma_start3A = arith.constant 0 : i32
        %dma_start3A_114 = arith.constant 0 : i32
        %dma_start3A_115 = tpu.memref_slice %arg5[%dma_start3A, %dma_start3A_114] : memref<10000x128xf32, #tpu.memory_space<hbm>> -> memref<10000x128xf32, #tpu.memory_space<hbm>>
        tpu.enqueue_indirect_dma source(%dma_start3A_115 : memref<10000x128xf32, #tpu.memory_space<hbm>>) target(%arg14 : memref<80x128xf32, #tpu.memory_space<vmem>>) offsets(%arg9 : memref<80xi32, #tpu.memory_space<vmem>>) semaphore(%arg17 : memref<!tpu.dma_semaphore, #tpu.memory_space<semaphore_mem>>)
        %get3A_116 = arith.constant 0 : index
        %get3A_117 = tpu.vector_load %arg9[%get3A_116] {strides = array<i32>} : memref<80xi32, #tpu.memory_space<vmem>>, vector<16xi32>,
        %get3A_118 = arith.constant 0 : index
        %get3A_119 = tpu.vector_load %arg10[%get3A_118] {strides = array<i32>} : memref<80xi32, #tpu.memory_space<vmem>>, vector<16xi32>,
        %gather3A = tpu.vector_load_idx %arg11[%get3A_117] : memref<10000xf32, #tpu.memory_space<vmem>>[vector<16xi32>], vector<16xf32>,
        %gather3A_120 = tpu.vector_load_idx %arg12[%get3A_119] : memref<10000xf32, #tpu.memory_space<vmem>>[vector<16xi32>], vector<16xf32>,
        %gather3A_121 = tpu.vector_load_idx %arg11[%get3A_119] : memref<10000xf32, #tpu.memory_space<vmem>>[vector<16xi32>], vector<16xf32>,
        %add3A_122 = arith.addf %gather3A, %gather3A_120 : vector<16xf32>
        %ge3A = arith.constant 0.000000e+00 : f32
        %ge3A_123 = vector.broadcast %ge3A : f32 to vector<16xf32>
        %ge3A_124 = arith.cmpf oge, %add3A_122, %ge3A_123 : vector<16xf32>
        %mul3A_125 = arith.constant 2.000000e-01 : f32
        %mul3A_126 = vector.broadcast %mul3A_125 : f32 to vector<16xf32>
        %mul3A_127 = arith.mulf %mul3A_126, %add3A_122 : vector<16xf32>
        %select_n3A = arith.select %ge3A_124, %add3A_122, %mul3A_127 : vector<16xi1>, vector<16xf32>
        %add3A_128 = arith.addf %gather3A_121, %gather3A_120 : vector<16xf32>
        %ge3A_129 = arith.constant 0.000000e+00 : f32
        %ge3A_130 = vector.broadcast %ge3A_129 : f32 to vector<16xf32>
        %ge3A_131 = arith.cmpf oge, %add3A_128, %ge3A_130 : vector<16xf32>
        %mul3A_132 = arith.constant 2.000000e-01 : f32
        %mul3A_133 = vector.broadcast %mul3A_132 : f32 to vector<16xf32>
        %mul3A_134 = arith.mulf %mul3A_133, %add3A_128 : vector<16xf32>
        %select_n3A_135 = arith.select %ge3A_131, %add3A_128, %mul3A_134 : vector<16xi1>, vector<16xf32>
        %sub3A = arith.subf %select_n3A, %select_n3A_135 : vector<16xf32>
        %exp3A = math.exp %sub3A : vector<16xf32>
        %swap3A_136 = arith.constant 0 : index
        %swap3A_137 = tpu.vector_load %arg13[%swap3A_136] {strides = array<i32>} : memref<80xf32, #tpu.memory_space<vmem>>, vector<16xf32>,
        tpu.vector_store %arg13[%swap3A_136], %exp3A {strides = array<i32>} : memref<80xf32, #tpu.memory_space<vmem>>, vector<16xf32>,
        tpu.vector_store_idx %arg15[%broadcast_in_dim3A_25, %get3A_119], %exp3A {add = true} : memref<1x10000xf32, #tpu.memory_space<vmem>>[vector<16xi32>, vector<16xi32>], vector<16xf32>,
        %get3A_138 = arith.constant 16 : index
        %get3A_139 = tpu.vector_load %arg9[%get3A_138] {strides = array<i32>} : memref<80xi32, #tpu.memory_space<vmem>>, vector<16xi32>,
        %get3A_140 = arith.constant 16 : index
        %get3A_141 = tpu.vector_load %arg10[%get3A_140] {strides = array<i32>} : memref<80xi32, #tpu.memory_space<vmem>>, vector<16xi32>,
        %gather3A_142 = tpu.vector_load_idx %arg11[%get3A_139] : memref<10000xf32, #tpu.memory_space<vmem>>[vector<16xi32>], vector<16xf32>,
        %gather3A_143 = tpu.vector_load_idx %arg12[%get3A_141] : memref<10000xf32, #tpu.memory_space<vmem>>[vector<16xi32>], vector<16xf32>,
        %gather3A_144 = tpu.vector_load_idx %arg11[%get3A_141] : memref<10000xf32, #tpu.memory_space<vmem>>[vector<16xi32>], vector<16xf32>,
        %add3A_145 = arith.addf %gather3A_142, %gather3A_143 : vector<16xf32>
        %ge3A_146 = arith.constant 0.000000e+00 : f32
        %ge3A_147 = vector.broadcast %ge3A_146 : f32 to vector<16xf32>
        %ge3A_148 = arith.cmpf oge, %add3A_145, %ge3A_147 : vector<16xf32>
        %mul3A_149 = arith.constant 2.000000e-01 : f32
        %mul3A_150 = vector.broadcast %mul3A_149 : f32 to vector<16xf32>
        %mul3A_151 = arith.mulf %mul3A_150, %add3A_145 : vector<16xf32>
        %select_n3A_152 = arith.select %ge3A_148, %add3A_145, %mul3A_151 : vector<16xi1>, vector<16xf32>
        %add3A_153 = arith.addf %gather3A_144, %gather3A_143 : vector<16xf32>
        %ge3A_154 = arith.constant 0.000000e+00 : f32
        %ge3A_155 = vector.broadcast %ge3A_154 : f32 to vector<16xf32>
        %ge3A_156 = arith.cmpf oge, %add3A_153, %ge3A_155 : vector<16xf32>
        %mul3A_157 = arith.constant 2.000000e-01 : f32
        %mul3A_158 = vector.broadcast %mul3A_157 : f32 to vector<16xf32>
        %mul3A_159 = arith.mulf %mul3A_158, %add3A_153 : vector<16xf32>
        %select_n3A_160 = arith.select %ge3A_156, %add3A_153, %mul3A_159 : vector<16xi1>, vector<16xf32>
        %sub3A_161 = arith.subf %select_n3A_152, %select_n3A_160 : vector<16xf32>
        %exp3A_162 = math.exp %sub3A_161 : vector<16xf32>
        %swap3A_163 = arith.constant 16 : index
        %swap3A_164 = tpu.vector_load %arg13[%swap3A_163] {strides = array<i32>} : memref<80xf32, #tpu.memory_space<vmem>>, vector<16xf32>,
        tpu.vector_store %arg13[%swap3A_163], %exp3A_162 {strides = array<i32>} : memref<80xf32, #tpu.memory_space<vmem>>, vector<16xf32>,
        tpu.vector_store_idx %arg15[%broadcast_in_dim3A_25, %get3A_141], %exp3A_162 {add = true} : memref<1x10000xf32, #tpu.memory_space<vmem>>[vector<16xi32>, vector<16xi32>], vector<16xf32>,
        %get3A_165 = arith.constant 32 : index
        %get3A_166 = tpu.vector_load %arg9[%get3A_165] {strides = array<i32>} : memref<80xi32, #tpu.memory_space<vmem>>, vector<16xi32>,
        %get3A_167 = arith.constant 32 : index
        %get3A_168 = tpu.vector_load %arg10[%get3A_167] {strides = array<i32>} : memref<80xi32, #tpu.memory_space<vmem>>, vector<16xi32>,
        %gather3A_169 = tpu.vector_load_idx %arg11[%get3A_166] : memref<10000xf32, #tpu.memory_space<vmem>>[vector<16xi32>], vector<16xf32>,
        %gather3A_170 = tpu.vector_load_idx %arg12[%get3A_168] : memref<10000xf32, #tpu.memory_space<vmem>>[vector<16xi32>], vector<16xf32>,
        %gather3A_171 = tpu.vector_load_idx %arg11[%get3A_168] : memref<10000xf32, #tpu.memory_space<vmem>>[vector<16xi32>], vector<16xf32>,
        %add3A_172 = arith.addf %gather3A_169, %gather3A_170 : vector<16xf32>
        %ge3A_173 = arith.constant 0.000000e+00 : f32
        %ge3A_174 = vector.broadcast %ge3A_173 : f32 to vector<16xf32>
        %ge3A_175 = arith.cmpf oge, %add3A_172, %ge3A_174 : vector<16xf32>
        %mul3A_176 = arith.constant 2.000000e-01 : f32
        %mul3A_177 = vector.broadcast %mul3A_176 : f32 to vector<16xf32>
        %mul3A_178 = arith.mulf %mul3A_177, %add3A_172 : vector<16xf32>
        %select_n3A_179 = arith.select %ge3A_175, %add3A_172, %mul3A_178 : vector<16xi1>, vector<16xf32>
        %add3A_180 = arith.addf %gather3A_171, %gather3A_170 : vector<16xf32>
        %ge3A_181 = arith.constant 0.000000e+00 : f32
        %ge3A_182 = vector.broadcast %ge3A_181 : f32 to vector<16xf32>
        %ge3A_183 = arith.cmpf oge, %add3A_180, %ge3A_182 : vector<16xf32>
        %mul3A_184 = arith.constant 2.000000e-01 : f32
        %mul3A_185 = vector.broadcast %mul3A_184 : f32 to vector<16xf32>
        %mul3A_186 = arith.mulf %mul3A_185, %add3A_180 : vector<16xf32>
        %select_n3A_187 = arith.select %ge3A_183, %add3A_180, %mul3A_186 : vector<16xi1>, vector<16xf32>
        %sub3A_188 = arith.subf %select_n3A_179, %select_n3A_187 : vector<16xf32>
        %exp3A_189 = math.exp %sub3A_188 : vector<16xf32>
        %swap3A_190 = arith.constant 32 : index
        %swap3A_191 = tpu.vector_load %arg13[%swap3A_190] {strides = array<i32>} : memref<80xf32, #tpu.memory_space<vmem>>, vector<16xf32>,
        tpu.vector_store %arg13[%swap3A_190], %exp3A_189 {strides = array<i32>} : memref<80xf32, #tpu.memory_space<vmem>>, vector<16xf32>,
        tpu.vector_store_idx %arg15[%broadcast_in_dim3A_25, %get3A_168], %exp3A_189 {add = true} : memref<1x10000xf32, #tpu.memory_space<vmem>>[vector<16xi32>, vector<16xi32>], vector<16xf32>,
        %get3A_192 = arith.constant 48 : index
        %get3A_193 = tpu.vector_load %arg9[%get3A_192] {strides = array<i32>} : memref<80xi32, #tpu.memory_space<vmem>>, vector<16xi32>,
        %get3A_194 = arith.constant 48 : index
        %get3A_195 = tpu.vector_load %arg10[%get3A_194] {strides = array<i32>} : memref<80xi32, #tpu.memory_space<vmem>>, vector<16xi32>,
        %gather3A_196 = tpu.vector_load_idx %arg11[%get3A_193] : memref<10000xf32, #tpu.memory_space<vmem>>[vector<16xi32>], vector<16xf32>,
        %gather3A_197 = tpu.vector_load_idx %arg12[%get3A_195] : memref<10000xf32, #tpu.memory_space<vmem>>[vector<16xi32>], vector<16xf32>,
        %gather3A_198 = tpu.vector_load_idx %arg11[%get3A_195] : memref<10000xf32, #tpu.memory_space<vmem>>[vector<16xi32>], vector<16xf32>,
        %add3A_199 = arith.addf %gather3A_196, %gather3A_197 : vector<16xf32>
        %ge3A_200 = arith.constant 0.000000e+00 : f32
        %ge3A_201 = vector.broadcast %ge3A_200 : f32 to vector<16xf32>
        %ge3A_202 = arith.cmpf oge, %add3A_199, %ge3A_201 : vector<16xf32>
        %mul3A_203 = arith.constant 2.000000e-01 : f32
        %mul3A_204 = vector.broadcast %mul3A_203 : f32 to vector<16xf32>
        %mul3A_205 = arith.mulf %mul3A_204, %add3A_199 : vector<16xf32>
        %select_n3A_206 = arith.select %ge3A_202, %add3A_199, %mul3A_205 : vector<16xi1>, vector<16xf32>
        %add3A_207 = arith.addf %gather3A_198, %gather3A_197 : vector<16xf32>
        %ge3A_208 = arith.constant 0.000000e+00 : f32
        %ge3A_209 = vector.broadcast %ge3A_208 : f32 to vector<16xf32>
        %ge3A_210 = arith.cmpf oge, %add3A_207, %ge3A_209 : vector<16xf32>
        %mul3A_211 = arith.constant 2.000000e-01 : f32
        %mul3A_212 = vector.broadcast %mul3A_211 : f32 to vector<16xf32>
        %mul3A_213 = arith.mulf %mul3A_212, %add3A_207 : vector<16xf32>
        %select_n3A_214 = arith.select %ge3A_210, %add3A_207, %mul3A_213 : vector<16xi1>, vector<16xf32>
        %sub3A_215 = arith.subf %select_n3A_206, %select_n3A_214 : vector<16xf32>
        %exp3A_216 = math.exp %sub3A_215 : vector<16xf32>
        %swap3A_217 = arith.constant 48 : index
        %swap3A_218 = tpu.vector_load %arg13[%swap3A_217] {strides = array<i32>} : memref<80xf32, #tpu.memory_space<vmem>>, vector<16xf32>,
        tpu.vector_store %arg13[%swap3A_217], %exp3A_216 {strides = array<i32>} : memref<80xf32, #tpu.memory_space<vmem>>, vector<16xf32>,
        tpu.vector_store_idx %arg15[%broadcast_in_dim3A_25, %get3A_195], %exp3A_216 {add = true} : memref<1x10000xf32, #tpu.memory_space<vmem>>[vector<16xi32>, vector<16xi32>], vector<16xf32>,
        %get3A_219 = arith.constant 64 : index
        %get3A_220 = tpu.vector_load %arg9[%get3A_219] {strides = array<i32>} : memref<80xi32, #tpu.memory_space<vmem>>, vector<16xi32>,
        %get3A_221 = arith.constant 64 : index
        %get3A_222 = tpu.vector_load %arg10[%get3A_221] {strides = array<i32>} : memref<80xi32, #tpu.memory_space<vmem>>, vector<16xi32>,
        %gather3A_223 = tpu.vector_load_idx %arg11[%get3A_220] : memref<10000xf32, #tpu.memory_space<vmem>>[vector<16xi32>], vector<16xf32>,
        %gather3A_224 = tpu.vector_load_idx %arg12[%get3A_222] : memref<10000xf32, #tpu.memory_space<vmem>>[vector<16xi32>], vector<16xf32>,
        %gather3A_225 = tpu.vector_load_idx %arg11[%get3A_222] : memref<10000xf32, #tpu.memory_space<vmem>>[vector<16xi32>], vector<16xf32>,
        %add3A_226 = arith.addf %gather3A_223, %gather3A_224 : vector<16xf32>
        %ge3A_227 = arith.constant 0.000000e+00 : f32
        %ge3A_228 = vector.broadcast %ge3A_227 : f32 to vector<16xf32>
        %ge3A_229 = arith.cmpf oge, %add3A_226, %ge3A_228 : vector<16xf32>
        %mul3A_230 = arith.constant 2.000000e-01 : f32
        %mul3A_231 = vector.broadcast %mul3A_230 : f32 to vector<16xf32>
        %mul3A_232 = arith.mulf %mul3A_231, %add3A_226 : vector<16xf32>
        %select_n3A_233 = arith.select %ge3A_229, %add3A_226, %mul3A_232 : vector<16xi1>, vector<16xf32>
        %add3A_234 = arith.addf %gather3A_225, %gather3A_224 : vector<16xf32>
        %ge3A_235 = arith.constant 0.000000e+00 : f32
        %ge3A_236 = vector.broadcast %ge3A_235 : f32 to vector<16xf32>
        %ge3A_237 = arith.cmpf oge, %add3A_234, %ge3A_236 : vector<16xf32>
        %mul3A_238 = arith.constant 2.000000e-01 : f32
        %mul3A_239 = vector.broadcast %mul3A_238 : f32 to vector<16xf32>
        %mul3A_240 = arith.mulf %mul3A_239, %add3A_234 : vector<16xf32>
        %select_n3A_241 = arith.select %ge3A_237, %add3A_234, %mul3A_240 : vector<16xi1>, vector<16xf32>
        %sub3A_242 = arith.subf %select_n3A_233, %select_n3A_241 : vector<16xf32>
        %exp3A_243 = math.exp %sub3A_242 : vector<16xf32>
        %swap3A_244 = arith.constant 64 : index
        %swap3A_245 = tpu.vector_load %arg13[%swap3A_244] {strides = array<i32>} : memref<80xf32, #tpu.memory_space<vmem>>, vector<16xf32>,
        tpu.vector_store %arg13[%swap3A_244], %exp3A_243 {strides = array<i32>} : memref<80xf32, #tpu.memory_space<vmem>>, vector<16xf32>,
        tpu.vector_store_idx %arg15[%broadcast_in_dim3A_25, %get3A_222], %exp3A_243 {add = true} : memref<1x10000xf32, #tpu.memory_space<vmem>>[vector<16xi32>, vector<16xi32>], vector<16xf32>,
        %dma_wait3A = arith.constant 0 : i32
        %dma_wait3A_246 = arith.constant 0 : i32
        %dma_wait3A_247 = tpu.memref_slice %arg5[%dma_wait3A, %dma_wait3A_246] : memref<10000x128xf32, #tpu.memory_space<hbm>> -> memref<10000x128xf32, #tpu.memory_space<hbm>>
        tpu.wait_indirect_dma semaphore(%arg17 : memref<!tpu.dma_semaphore, #tpu.memory_space<semaphore_mem>>) src(%dma_wait3A_247 : memref<10000x128xf32, #tpu.memory_space<hbm>>) dst(%arg14 : memref<80x128xf32, #tpu.memory_space<vmem>>)
        %scan3A_248 = arith.constant 0 : i32
        %scan3A_249 = arith.constant 0 : i32
        %scan3A_250 = arith.constant 20 : i32
        %scan3A_251 = arith.addi %scan3A_249, %scan3A_250 : i32
        %scan3A_252 = arith.constant 1 : i32
        %scan3A_253 = scf.for %scan3A_256 = %scan3A_249 to %scan3A_251 step %scan3A_252 iter_args(%scan3A_257 = %scan3A_248) -> (i32)  : i32 {
          %mul3A_258 = arith.constant 4 : i32
          %mul3A_259 = arith.muli %scan3A_256, %mul3A_258 : i32
          %add3A_260 = arith.constant 0 : i32
          %add3A_261 = arith.addi %mul3A_259, %add3A_260 : i32
          %broadcast_in_dim3A_262 = vector.broadcast %add3A_261 : i32 to vector<16xi32>
          %gather3A_263 = tpu.vector_load_idx %arg13[%broadcast_in_dim3A_262] : memref<80xf32, #tpu.memory_space<vmem>>[vector<16xi32>], vector<16xf32>,
          %get3A_264 = arith.index_cast %add3A_261 : i32 to index
          %get3A_265 = arith.constant 0 : index
          %get3A_266 = tpu.vector_load %arg14[%get3A_264, %get3A_265] {strides = array<i32>} : memref<80x128xf32, #tpu.memory_space<vmem>>, vector<16xf32>,
          %mul3A_267 = arith.mulf %get3A_266, %gather3A_263 : vector<16xf32>
          %swap3A_268 = arith.index_cast %add3A_261 : i32 to index
          %swap3A_269 = arith.constant 0 : index
          %swap3A_270 = tpu.vector_load %arg14[%swap3A_268, %swap3A_269] {strides = array<i32>} : memref<80x128xf32, #tpu.memory_space<vmem>>, vector<16xf32>,
          tpu.vector_store %arg14[%swap3A_268, %swap3A_269], %mul3A_267 {strides = array<i32>} : memref<80x128xf32, #tpu.memory_space<vmem>>, vector<16xf32>,
          %get3A_271 = arith.index_cast %add3A_261 : i32 to index
          %get3A_272 = arith.constant 16 : index
          %get3A_273 = tpu.vector_load %arg14[%get3A_271, %get3A_272] {strides = array<i32>} : memref<80x128xf32, #tpu.memory_space<vmem>>, vector<16xf32>,
          %mul3A_274 = arith.mulf %get3A_273, %gather3A_263 : vector<16xf32>
          %swap3A_275 = arith.index_cast %add3A_261 : i32 to index
          %swap3A_276 = arith.constant 16 : index
          %swap3A_277 = tpu.vector_load %arg14[%swap3A_275, %swap3A_276] {strides = array<i32>} : memref<80x128xf32, #tpu.memory_space<vmem>>, vector<16xf32>,
          tpu.vector_store %arg14[%swap3A_275, %swap3A_276], %mul3A_274 {strides = array<i32>} : memref<80x128xf32, #tpu.memory_space<vmem>>, vector<16xf32>,
          %get3A_278 = arith.index_cast %add3A_261 : i32 to index
          %get3A_279 = arith.constant 32 : index
          %get3A_280 = tpu.vector_load %arg14[%get3A_278, %get3A_279] {strides = array<i32>} : memref<80x128xf32, #tpu.memory_space<vmem>>, vector<16xf32>,
          %mul3A_281 = arith.mulf %get3A_280, %gather3A_263 : vector<16xf32>
          %swap3A_282 = arith.index_cast %add3A_261 : i32 to index
          %swap3A_283 = arith.constant 32 : index
          %swap3A_284 = tpu.vector_load %arg14[%swap3A_282, %swap3A_283] {strides = array<i32>} : memref<80x128xf32, #tpu.memory_space<vmem>>, vector<16xf32>,
          tpu.vector_store %arg14[%swap3A_282, %swap3A_283], %mul3A_281 {strides = array<i32>} : memref<80x128xf32, #tpu.memory_space<vmem>>, vector<16xf32>,
          %get3A_285 = arith.index_cast %add3A_261 : i32 to index
          %get3A_286 = arith.constant 48 : index
          %get3A_287 = tpu.vector_load %arg14[%get3A_285, %get3A_286] {strides = array<i32>} : memref<80x128xf32, #tpu.memory_space<vmem>>, vector<16xf32>,
          %mul3A_288 = arith.mulf %get3A_287, %gather3A_263 : vector<16xf32>
          %swap3A_289 = arith.index_cast %add3A_261 : i32 to index
          %swap3A_290 = arith.constant 48 : index
          %swap3A_291 = tpu.vector_load %arg14[%swap3A_289, %swap3A_290] {strides = array<i32>} : memref<80x128xf32, #tpu.memory_space<vmem>>, vector<16xf32>,
          tpu.vector_store %arg14[%swap3A_289, %swap3A_290], %mul3A_288 {strides = array<i32>} : memref<80x128xf32, #tpu.memory_space<vmem>>, vector<16xf32>,
          %get3A_292 = arith.index_cast %add3A_261 : i32 to index
          %get3A_293 = arith.constant 64 : index
          %get3A_294 = tpu.vector_load %arg14[%get3A_292, %get3A_293] {strides = array<i32>} : memref<80x128xf32, #tpu.memory_space<vmem>>, vector<16xf32>,
          %mul3A_295 = arith.mulf %get3A_294, %gather3A_263 : vector<16xf32>
          %swap3A_296 = arith.index_cast %add3A_261 : i32 to index
          %swap3A_297 = arith.constant 64 : index
          %swap3A_298 = tpu.vector_load %arg14[%swap3A_296, %swap3A_297] {strides = array<i32>} : memref<80x128xf32, #tpu.memory_space<vmem>>, vector<16xf32>,
          tpu.vector_store %arg14[%swap3A_296, %swap3A_297], %mul3A_295 {strides = array<i32>} : memref<80x128xf32, #tpu.memory_space<vmem>>, vector<16xf32>,
          %get3A_299 = arith.index_cast %add3A_261 : i32 to index
          %get3A_300 = arith.constant 80 : index
          %get3A_301 = tpu.vector_load %arg14[%get3A_299, %get3A_300] {strides = array<i32>} : memref<80x128xf32, #tpu.memory_space<vmem>>, vector<16xf32>,
          %mul3A_302 = arith.mulf %get3A_301, %gather3A_263 : vector<16xf32>
          %swap3A_303 = arith.index_cast %add3A_261 : i32 to index
          %swap3A_304 = arith.constant 80 : index
          %swap3A_305 = tpu.vector_load %arg14[%swap3A_303, %swap3A_304] {strides = array<i32>} : memref<80x128xf32, #tpu.memory_space<vmem>>, vector<16xf32>,
          tpu.vector_store %arg14[%swap3A_303, %swap3A_304], %mul3A_302 {strides = array<i32>} : memref<80x128xf32, #tpu.memory_space<vmem>>, vector<16xf32>,
          %get3A_306 = arith.index_cast %add3A_261 : i32 to index
          %get3A_307 = arith.constant 96 : index
          %get3A_308 = tpu.vector_load %arg14[%get3A_306, %get3A_307] {strides = array<i32>} : memref<80x128xf32, #tpu.memory_space<vmem>>, vector<16xf32>,
          %mul3A_309 = arith.mulf %get3A_308, %gather3A_263 : vector<16xf32>
          %swap3A_310 = arith.index_cast %add3A_261 : i32 to index
          %swap3A_311 = arith.constant 96 : index
          %swap3A_312 = tpu.vector_load %arg14[%swap3A_310, %swap3A_311] {strides = array<i32>} : memref<80x128xf32, #tpu.memory_space<vmem>>, vector<16xf32>,
          tpu.vector_store %arg14[%swap3A_310, %swap3A_311], %mul3A_309 {strides = array<i32>} : memref<80x128xf32, #tpu.memory_space<vmem>>, vector<16xf32>,
          %get3A_313 = arith.index_cast %add3A_261 : i32 to index
          %get3A_314 = arith.constant 112 : index
          %get3A_315 = tpu.vector_load %arg14[%get3A_313, %get3A_314] {strides = array<i32>} : memref<80x128xf32, #tpu.memory_space<vmem>>, vector<16xf32>,
          %mul3A_316 = arith.mulf %get3A_315, %gather3A_263 : vector<16xf32>
          %swap3A_317 = arith.index_cast %add3A_261 : i32 to index
          %swap3A_318 = arith.constant 112 : index
          %swap3A_319 = tpu.vector_load %arg14[%swap3A_317, %swap3A_318] {strides = array<i32>} : memref<80x128xf32, #tpu.memory_space<vmem>>, vector<16xf32>,
          tpu.vector_store %arg14[%swap3A_317, %swap3A_318], %mul3A_316 {strides = array<i32>} : memref<80x128xf32, #tpu.memory_space<vmem>>, vector<16xf32>,
          %mul3A_320 = arith.constant 4 : i32
          %mul3A_321 = arith.muli %scan3A_256, %mul3A_320 : i32
          %add3A_322 = arith.constant 1 : i32
          %add3A_323 = arith.addi %mul3A_321, %add3A_322 : i32
          %broadcast_in_dim3A_324 = vector.broadcast %add3A_323 : i32 to vector<16xi32>
          %gather3A_325 = tpu.vector_load_idx %arg13[%broadcast_in_dim3A_324] : memref<80xf32, #tpu.memory_space<vmem>>[vector<16xi32>], vector<16xf32>,
          %get3A_326 = arith.index_cast %add3A_323 : i32 to index
          %get3A_327 = arith.constant 0 : index
          %get3A_328 = tpu.vector_load %arg14[%get3A_326, %get3A_327] {strides = array<i32>} : memref<80x128xf32, #tpu.memory_space<vmem>>, vector<16xf32>,
          %mul3A_329 = arith.mulf %get3A_328, %gather3A_325 : vector<16xf32>
          %swap3A_330 = arith.index_cast %add3A_323 : i32 to index
          %swap3A_331 = arith.constant 0 : index
          %swap3A_332 = tpu.vector_load %arg14[%swap3A_330, %swap3A_331] {strides = array<i32>} : memref<80x128xf32, #tpu.memory_space<vmem>>, vector<16xf32>,
          tpu.vector_store %arg14[%swap3A_330, %swap3A_331], %mul3A_329 {strides = array<i32>} : memref<80x128xf32, #tpu.memory_space<vmem>>, vector<16xf32>,
          %get3A_333 = arith.index_cast %add3A_323 : i32 to index
          %get3A_334 = arith.constant 16 : index
          %get3A_335 = tpu.vector_load %arg14[%get3A_333, %get3A_334] {strides = array<i32>} : memref<80x128xf32, #tpu.memory_space<vmem>>, vector<16xf32>,
          %mul3A_336 = arith.mulf %get3A_335, %gather3A_325 : vector<16xf32>
          %swap3A_337 = arith.index_cast %add3A_323 : i32 to index
          %swap3A_338 = arith.constant 16 : index
          %swap3A_339 = tpu.vector_load %arg14[%swap3A_337, %swap3A_338] {strides = array<i32>} : memref<80x128xf32, #tpu.memory_space<vmem>>, vector<16xf32>,
          tpu.vector_store %arg14[%swap3A_337, %swap3A_338], %mul3A_336 {strides = array<i32>} : memref<80x128xf32, #tpu.memory_space<vmem>>, vector<16xf32>,
          %get3A_340 = arith.index_cast %add3A_323 : i32 to index
          %get3A_341 = arith.constant 32 : index
          %get3A_342 = tpu.vector_load %arg14[%get3A_340, %get3A_341] {strides = array<i32>} : memref<80x128xf32, #tpu.memory_space<vmem>>, vector<16xf32>,
          %mul3A_343 = arith.mulf %get3A_342, %gather3A_325 : vector<16xf32>
          %swap3A_344 = arith.index_cast %add3A_323 : i32 to index
          %swap3A_345 = arith.constant 32 : index
          %swap3A_346 = tpu.vector_load %arg14[%swap3A_344, %swap3A_345] {strides = array<i32>} : memref<80x128xf32, #tpu.memory_space<vmem>>, vector<16xf32>,
          tpu.vector_store %arg14[%swap3A_344, %swap3A_345], %mul3A_343 {strides = array<i32>} : memref<80x128xf32, #tpu.memory_space<vmem>>, vector<16xf32>,
          %get3A_347 = arith.index_cast %add3A_323 : i32 to index
          %get3A_348 = arith.constant 48 : index
          %get3A_349 = tpu.vector_load %arg14[%get3A_347, %get3A_348] {strides = array<i32>} : memref<80x128xf32, #tpu.memory_space<vmem>>, vector<16xf32>,
          %mul3A_350 = arith.mulf %get3A_349, %gather3A_325 : vector<16xf32>
          %swap3A_351 = arith.index_cast %add3A_323 : i32 to index
          %swap3A_352 = arith.constant 48 : index
          %swap3A_353 = tpu.vector_load %arg14[%swap3A_351, %swap3A_352] {strides = array<i32>} : memref<80x128xf32, #tpu.memory_space<vmem>>, vector<16xf32>,
          tpu.vector_store %arg14[%swap3A_351, %swap3A_352], %mul3A_350 {strides = array<i32>} : memref<80x128xf32, #tpu.memory_space<vmem>>, vector<16xf32>,
          %get3A_354 = arith.index_cast %add3A_323 : i32 to index
          %get3A_355 = arith.constant 64 : index
          %get3A_356 = tpu.vector_load %arg14[%get3A_354, %get3A_355] {strides = array<i32>} : memref<80x128xf32, #tpu.memory_space<vmem>>, vector<16xf32>,
          %mul3A_357 = arith.mulf %get3A_356, %gather3A_325 : vector<16xf32>
          %swap3A_358 = arith.index_cast %add3A_323 : i32 to index
          %swap3A_359 = arith.constant 64 : index
          %swap3A_360 = tpu.vector_load %arg14[%swap3A_358, %swap3A_359] {strides = array<i32>} : memref<80x128xf32, #tpu.memory_space<vmem>>, vector<16xf32>,
          tpu.vector_store %arg14[%swap3A_358, %swap3A_359], %mul3A_357 {strides = array<i32>} : memref<80x128xf32, #tpu.memory_space<vmem>>, vector<16xf32>,
          %get3A_361 = arith.index_cast %add3A_323 : i32 to index
          %get3A_362 = arith.constant 80 : index
          %get3A_363 = tpu.vector_load %arg14[%get3A_361, %get3A_362] {strides = array<i32>} : memref<80x128xf32, #tpu.memory_space<vmem>>, vector<16xf32>,
          %mul3A_364 = arith.mulf %get3A_363, %gather3A_325 : vector<16xf32>
          %swap3A_365 = arith.index_cast %add3A_323 : i32 to index
          %swap3A_366 = arith.constant 80 : index
          %swap3A_367 = tpu.vector_load %arg14[%swap3A_365, %swap3A_366] {strides = array<i32>} : memref<80x128xf32, #tpu.memory_space<vmem>>, vector<16xf32>,
          tpu.vector_store %arg14[%swap3A_365, %swap3A_366], %mul3A_364 {strides = array<i32>} : memref<80x128xf32, #tpu.memory_space<vmem>>, vector<16xf32>,
          %get3A_368 = arith.index_cast %add3A_323 : i32 to index
          %get3A_369 = arith.constant 96 : index
          %get3A_370 = tpu.vector_load %arg14[%get3A_368, %get3A_369] {strides = array<i32>} : memref<80x128xf32, #tpu.memory_space<vmem>>, vector<16xf32>,
          %mul3A_371 = arith.mulf %get3A_370, %gather3A_325 : vector<16xf32>
          %swap3A_372 = arith.index_cast %add3A_323 : i32 to index
          %swap3A_373 = arith.constant 96 : index
          %swap3A_374 = tpu.vector_load %arg14[%swap3A_372, %swap3A_373] {strides = array<i32>} : memref<80x128xf32, #tpu.memory_space<vmem>>, vector<16xf32>,
          tpu.vector_store %arg14[%swap3A_372, %swap3A_373], %mul3A_371 {strides = array<i32>} : memref<80x128xf32, #tpu.memory_space<vmem>>, vector<16xf32>,
          %get3A_375 = arith.index_cast %add3A_323 : i32 to index
          %get3A_376 = arith.constant 112 : index
          %get3A_377 = tpu.vector_load %arg14[%get3A_375, %get3A_376] {strides = array<i32>} : memref<80x128xf32, #tpu.memory_space<vmem>>, vector<16xf32>,
          %mul3A_378 = arith.mulf %get3A_377, %gather3A_325 : vector<16xf32>
          %swap3A_379 = arith.index_cast %add3A_323 : i32 to index
          %swap3A_380 = arith.constant 112 : index
          %swap3A_381 = tpu.vector_load %arg14[%swap3A_379, %swap3A_380] {strides = array<i32>} : memref<80x128xf32, #tpu.memory_space<vmem>>, vector<16xf32>,
          tpu.vector_store %arg14[%swap3A_379, %swap3A_380], %mul3A_378 {strides = array<i32>} : memref<80x128xf32, #tpu.memory_space<vmem>>, vector<16xf32>,
          %mul3A_382 = arith.constant 4 : i32
          %mul3A_383 = arith.muli %scan3A_256, %mul3A_382 : i32
          %add3A_384 = arith.constant 2 : i32
          %add3A_385 = arith.addi %mul3A_383, %add3A_384 : i32
          %broadcast_in_dim3A_386 = vector.broadcast %add3A_385 : i32 to vector<16xi32>
          %gather3A_387 = tpu.vector_load_idx %arg13[%broadcast_in_dim3A_386] : memref<80xf32, #tpu.memory_space<vmem>>[vector<16xi32>], vector<16xf32>,
          %get3A_388 = arith.index_cast %add3A_385 : i32 to index
          %get3A_389 = arith.constant 0 : index
          %get3A_390 = tpu.vector_load %arg14[%get3A_388, %get3A_389] {strides = array<i32>} : memref<80x128xf32, #tpu.memory_space<vmem>>, vector<16xf32>,
          %mul3A_391 = arith.mulf %get3A_390, %gather3A_387 : vector<16xf32>
          %swap3A_392 = arith.index_cast %add3A_385 : i32 to index
          %swap3A_393 = arith.constant 0 : index
          %swap3A_394 = tpu.vector_load %arg14[%swap3A_392, %swap3A_393] {strides = array<i32>} : memref<80x128xf32, #tpu.memory_space<vmem>>, vector<16xf32>,
          tpu.vector_store %arg14[%swap3A_392, %swap3A_393], %mul3A_391 {strides = array<i32>} : memref<80x128xf32, #tpu.memory_space<vmem>>, vector<16xf32>,
          %get3A_395 = arith.index_cast %add3A_385 : i32 to index
          %get3A_396 = arith.constant 16 : index
          %get3A_397 = tpu.vector_load %arg14[%get3A_395, %get3A_396] {strides = array<i32>} : memref<80x128xf32, #tpu.memory_space<vmem>>, vector<16xf32>,
          %mul3A_398 = arith.mulf %get3A_397, %gather3A_387 : vector<16xf32>
          %swap3A_399 = arith.index_cast %add3A_385 : i32 to index
          %swap3A_400 = arith.constant 16 : index
          %swap3A_401 = tpu.vector_load %arg14[%swap3A_399, %swap3A_400] {strides = array<i32>} : memref<80x128xf32, #tpu.memory_space<vmem>>, vector<16xf32>,
          tpu.vector_store %arg14[%swap3A_399, %swap3A_400], %mul3A_398 {strides = array<i32>} : memref<80x128xf32, #tpu.memory_space<vmem>>, vector<16xf32>,
          %get3A_402 = arith.index_cast %add3A_385 : i32 to index
          %get3A_403 = arith.constant 32 : index
          %get3A_404 = tpu.vector_load %arg14[%get3A_402, %get3A_403] {strides = array<i32>} : memref<80x128xf32, #tpu.memory_space<vmem>>, vector<16xf32>,
          %mul3A_405 = arith.mulf %get3A_404, %gather3A_387 : vector<16xf32>
          %swap3A_406 = arith.index_cast %add3A_385 : i32 to index
          %swap3A_407 = arith.constant 32 : index
          %swap3A_408 = tpu.vector_load %arg14[%swap3A_406, %swap3A_407] {strides = array<i32>} : memref<80x128xf32, #tpu.memory_space<vmem>>, vector<16xf32>,
          tpu.vector_store %arg14[%swap3A_406, %swap3A_407], %mul3A_405 {strides = array<i32>} : memref<80x128xf32, #tpu.memory_space<vmem>>, vector<16xf32>,
          %get3A_409 = arith.index_cast %add3A_385 : i32 to index
          %get3A_410 = arith.constant 48 : index
          %get3A_411 = tpu.vector_load %arg14[%get3A_409, %get3A_410] {strides = array<i32>} : memref<80x128xf32, #tpu.memory_space<vmem>>, vector<16xf32>,
          %mul3A_412 = arith.mulf %get3A_411, %gather3A_387 : vector<16xf32>
          %swap3A_413 = arith.index_cast %add3A_385 : i32 to index
          %swap3A_414 = arith.constant 48 : index
          %swap3A_415 = tpu.vector_load %arg14[%swap3A_413, %swap3A_414] {strides = array<i32>} : memref<80x128xf32, #tpu.memory_space<vmem>>, vector<16xf32>,
          tpu.vector_store %arg14[%swap3A_413, %swap3A_414], %mul3A_412 {strides = array<i32>} : memref<80x128xf32, #tpu.memory_space<vmem>>, vector<16xf32>,
          %get3A_416 = arith.index_cast %add3A_385 : i32 to index
          %get3A_417 = arith.constant 64 : index
          %get3A_418 = tpu.vector_load %arg14[%get3A_416, %get3A_417] {strides = array<i32>} : memref<80x128xf32, #tpu.memory_space<vmem>>, vector<16xf32>,
          %mul3A_419 = arith.mulf %get3A_418, %gather3A_387 : vector<16xf32>
          %swap3A_420 = arith.index_cast %add3A_385 : i32 to index
          %swap3A_421 = arith.constant 64 : index
          %swap3A_422 = tpu.vector_load %arg14[%swap3A_420, %swap3A_421] {strides = array<i32>} : memref<80x128xf32, #tpu.memory_space<vmem>>, vector<16xf32>,
          tpu.vector_store %arg14[%swap3A_420, %swap3A_421], %mul3A_419 {strides = array<i32>} : memref<80x128xf32, #tpu.memory_space<vmem>>, vector<16xf32>,
          %get3A_423 = arith.index_cast %add3A_385 : i32 to index
          %get3A_424 = arith.constant 80 : index
          %get3A_425 = tpu.vector_load %arg14[%get3A_423, %get3A_424] {strides = array<i32>} : memref<80x128xf32, #tpu.memory_space<vmem>>, vector<16xf32>,
          %mul3A_426 = arith.mulf %get3A_425, %gather3A_387 : vector<16xf32>
          %swap3A_427 = arith.index_cast %add3A_385 : i32 to index
          %swap3A_428 = arith.constant 80 : index
          %swap3A_429 = tpu.vector_load %arg14[%swap3A_427, %swap3A_428] {strides = array<i32>} : memref<80x128xf32, #tpu.memory_space<vmem>>, vector<16xf32>,
          tpu.vector_store %arg14[%swap3A_427, %swap3A_428], %mul3A_426 {strides = array<i32>} : memref<80x128xf32, #tpu.memory_space<vmem>>, vector<16xf32>,
          %get3A_430 = arith.index_cast %add3A_385 : i32 to index
          %get3A_431 = arith.constant 96 : index
          %get3A_432 = tpu.vector_load %arg14[%get3A_430, %get3A_431] {strides = array<i32>} : memref<80x128xf32, #tpu.memory_space<vmem>>, vector<16xf32>,
          %mul3A_433 = arith.mulf %get3A_432, %gather3A_387 : vector<16xf32>
          %swap3A_434 = arith.index_cast %add3A_385 : i32 to index
          %swap3A_435 = arith.constant 96 : index
          %swap3A_436 = tpu.vector_load %arg14[%swap3A_434, %swap3A_435] {strides = array<i32>} : memref<80x128xf32, #tpu.memory_space<vmem>>, vector<16xf32>,
          tpu.vector_store %arg14[%swap3A_434, %swap3A_435], %mul3A_433 {strides = array<i32>} : memref<80x128xf32, #tpu.memory_space<vmem>>, vector<16xf32>,
          %get3A_437 = arith.index_cast %add3A_385 : i32 to index
          %get3A_438 = arith.constant 112 : index
          %get3A_439 = tpu.vector_load %arg14[%get3A_437, %get3A_438] {strides = array<i32>} : memref<80x128xf32, #tpu.memory_space<vmem>>, vector<16xf32>,
          %mul3A_440 = arith.mulf %get3A_439, %gather3A_387 : vector<16xf32>
          %swap3A_441 = arith.index_cast %add3A_385 : i32 to index
          %swap3A_442 = arith.constant 112 : index
          %swap3A_443 = tpu.vector_load %arg14[%swap3A_441, %swap3A_442] {strides = array<i32>} : memref<80x128xf32, #tpu.memory_space<vmem>>, vector<16xf32>,
          tpu.vector_store %arg14[%swap3A_441, %swap3A_442], %mul3A_440 {strides = array<i32>} : memref<80x128xf32, #tpu.memory_space<vmem>>, vector<16xf32>,
          %mul3A_444 = arith.constant 4 : i32
          %mul3A_445 = arith.muli %scan3A_256, %mul3A_444 : i32
          %add3A_446 = arith.constant 3 : i32
          %add3A_447 = arith.addi %mul3A_445, %add3A_446 : i32
          %broadcast_in_dim3A_448 = vector.broadcast %add3A_447 : i32 to vector<16xi32>
          %gather3A_449 = tpu.vector_load_idx %arg13[%broadcast_in_dim3A_448] : memref<80xf32, #tpu.memory_space<vmem>>[vector<16xi32>], vector<16xf32>,
          %get3A_450 = arith.index_cast %add3A_447 : i32 to index
          %get3A_451 = arith.constant 0 : index
          %get3A_452 = tpu.vector_load %arg14[%get3A_450, %get3A_451] {strides = array<i32>} : memref<80x128xf32, #tpu.memory_space<vmem>>, vector<16xf32>,
          %mul3A_453 = arith.mulf %get3A_452, %gather3A_449 : vector<16xf32>
          %swap3A_454 = arith.index_cast %add3A_447 : i32 to index
          %swap3A_455 = arith.constant 0 : index
          %swap3A_456 = tpu.vector_load %arg14[%swap3A_454, %swap3A_455] {strides = array<i32>} : memref<80x128xf32, #tpu.memory_space<vmem>>, vector<16xf32>,
          tpu.vector_store %arg14[%swap3A_454, %swap3A_455], %mul3A_453 {strides = array<i32>} : memref<80x128xf32, #tpu.memory_space<vmem>>, vector<16xf32>,
          %get3A_457 = arith.index_cast %add3A_447 : i32 to index
          %get3A_458 = arith.constant 16 : index
          %get3A_459 = tpu.vector_load %arg14[%get3A_457, %get3A_458] {strides = array<i32>} : memref<80x128xf32, #tpu.memory_space<vmem>>, vector<16xf32>,
          %mul3A_460 = arith.mulf %get3A_459, %gather3A_449 : vector<16xf32>
          %swap3A_461 = arith.index_cast %add3A_447 : i32 to index
          %swap3A_462 = arith.constant 16 : index
          %swap3A_463 = tpu.vector_load %arg14[%swap3A_461, %swap3A_462] {strides = array<i32>} : memref<80x128xf32, #tpu.memory_space<vmem>>, vector<16xf32>,
          tpu.vector_store %arg14[%swap3A_461, %swap3A_462], %mul3A_460 {strides = array<i32>} : memref<80x128xf32, #tpu.memory_space<vmem>>, vector<16xf32>,
          %get3A_464 = arith.index_cast %add3A_447 : i32 to index
          %get3A_465 = arith.constant 32 : index
          %get3A_466 = tpu.vector_load %arg14[%get3A_464, %get3A_465] {strides = array<i32>} : memref<80x128xf32, #tpu.memory_space<vmem>>, vector<16xf32>,
          %mul3A_467 = arith.mulf %get3A_466, %gather3A_449 : vector<16xf32>
          %swap3A_468 = arith.index_cast %add3A_447 : i32 to index
          %swap3A_469 = arith.constant 32 : index
          %swap3A_470 = tpu.vector_load %arg14[%swap3A_468, %swap3A_469] {strides = array<i32>} : memref<80x128xf32, #tpu.memory_space<vmem>>, vector<16xf32>,
          tpu.vector_store %arg14[%swap3A_468, %swap3A_469], %mul3A_467 {strides = array<i32>} : memref<80x128xf32, #tpu.memory_space<vmem>>, vector<16xf32>,
          %get3A_471 = arith.index_cast %add3A_447 : i32 to index
          %get3A_472 = arith.constant 48 : index
          %get3A_473 = tpu.vector_load %arg14[%get3A_471, %get3A_472] {strides = array<i32>} : memref<80x128xf32, #tpu.memory_space<vmem>>, vector<16xf32>,
          %mul3A_474 = arith.mulf %get3A_473, %gather3A_449 : vector<16xf32>
          %swap3A_475 = arith.index_cast %add3A_447 : i32 to index
          %swap3A_476 = arith.constant 48 : index
          %swap3A_477 = tpu.vector_load %arg14[%swap3A_475, %swap3A_476] {strides = array<i32>} : memref<80x128xf32, #tpu.memory_space<vmem>>, vector<16xf32>,
          tpu.vector_store %arg14[%swap3A_475, %swap3A_476], %mul3A_474 {strides = array<i32>} : memref<80x128xf32, #tpu.memory_space<vmem>>, vector<16xf32>,
          %get3A_478 = arith.index_cast %add3A_447 : i32 to index
          %get3A_479 = arith.constant 64 : index
          %get3A_480 = tpu.vector_load %arg14[%get3A_478, %get3A_479] {strides = array<i32>} : memref<80x128xf32, #tpu.memory_space<vmem>>, vector<16xf32>,
          %mul3A_481 = arith.mulf %get3A_480, %gather3A_449 : vector<16xf32>
          %swap3A_482 = arith.index_cast %add3A_447 : i32 to index
          %swap3A_483 = arith.constant 64 : index
          %swap3A_484 = tpu.vector_load %arg14[%swap3A_482, %swap3A_483] {strides = array<i32>} : memref<80x128xf32, #tpu.memory_space<vmem>>, vector<16xf32>,
          tpu.vector_store %arg14[%swap3A_482, %swap3A_483], %mul3A_481 {strides = array<i32>} : memref<80x128xf32, #tpu.memory_space<vmem>>, vector<16xf32>,
          %get3A_485 = arith.index_cast %add3A_447 : i32 to index
          %get3A_486 = arith.constant 80 : index
          %get3A_487 = tpu.vector_load %arg14[%get3A_485, %get3A_486] {strides = array<i32>} : memref<80x128xf32, #tpu.memory_space<vmem>>, vector<16xf32>,
          %mul3A_488 = arith.mulf %get3A_487, %gather3A_449 : vector<16xf32>
          %swap3A_489 = arith.index_cast %add3A_447 : i32 to index
          %swap3A_490 = arith.constant 80 : index
          %swap3A_491 = tpu.vector_load %arg14[%swap3A_489, %swap3A_490] {strides = array<i32>} : memref<80x128xf32, #tpu.memory_space<vmem>>, vector<16xf32>,
          tpu.vector_store %arg14[%swap3A_489, %swap3A_490], %mul3A_488 {strides = array<i32>} : memref<80x128xf32, #tpu.memory_space<vmem>>, vector<16xf32>,
          %get3A_492 = arith.index_cast %add3A_447 : i32 to index
          %get3A_493 = arith.constant 96 : index
          %get3A_494 = tpu.vector_load %arg14[%get3A_492, %get3A_493] {strides = array<i32>} : memref<80x128xf32, #tpu.memory_space<vmem>>, vector<16xf32>,
          %mul3A_495 = arith.mulf %get3A_494, %gather3A_449 : vector<16xf32>
          %swap3A_496 = arith.index_cast %add3A_447 : i32 to index
          %swap3A_497 = arith.constant 96 : index
          %swap3A_498 = tpu.vector_load %arg14[%swap3A_496, %swap3A_497] {strides = array<i32>} : memref<80x128xf32, #tpu.memory_space<vmem>>, vector<16xf32>,
          tpu.vector_store %arg14[%swap3A_496, %swap3A_497], %mul3A_495 {strides = array<i32>} : memref<80x128xf32, #tpu.memory_space<vmem>>, vector<16xf32>,
          %get3A_499 = arith.index_cast %add3A_447 : i32 to index
          %get3A_500 = arith.constant 112 : index
          %get3A_501 = tpu.vector_load %arg14[%get3A_499, %get3A_500] {strides = array<i32>} : memref<80x128xf32, #tpu.memory_space<vmem>>, vector<16xf32>,
          %mul3A_502 = arith.mulf %get3A_501, %gather3A_449 : vector<16xf32>
          %swap3A_503 = arith.index_cast %add3A_447 : i32 to index
          %swap3A_504 = arith.constant 112 : index
          %swap3A_505 = tpu.vector_load %arg14[%swap3A_503, %swap3A_504] {strides = array<i32>} : memref<80x128xf32, #tpu.memory_space<vmem>>, vector<16xf32>,
          tpu.vector_store %arg14[%swap3A_503, %swap3A_504], %mul3A_502 {strides = array<i32>} : memref<80x128xf32, #tpu.memory_space<vmem>>, vector<16xf32>,
          %scan3A_506 = arith.constant 0 : i32
          scf.yield %scan3A_506 : i32
        }
        %scan3A_254 = arith.constant 20 : i32
        "tpu.region"() ({
          %run_scoped3A = tpu.sem_alloc : memref<!tpu.dma_semaphore, #tpu.memory_space<semaphore_mem>>
          %dma_start3A_256 = arith.constant 0 : i32
          %dma_start3A_257 = arith.constant 0 : i32
          %dma_start3A_258 = tpu.memref_slice %arg16[%dma_start3A_256, %dma_start3A_257] : memref<10240x128xf32, #tpu.memory_space<vmem_shared>> -> memref<10240x128xf32, #tpu.memory_space<vmem_shared>>
          tpu.enqueue_indirect_dma source(%arg14 : memref<80x128xf32, #tpu.memory_space<vmem>>) target(%dma_start3A_258 : memref<10240x128xf32, #tpu.memory_space<vmem_shared>>) offsets(%arg10 : memref<80xi32, #tpu.memory_space<vmem>>) semaphore(%run_scoped3A : memref<!tpu.dma_semaphore, #tpu.memory_space<semaphore_mem>>) {add = true}
          %dma_wait3A_259 = arith.constant 0 : i32
          %dma_wait3A_260 = arith.constant 0 : i32
          %dma_wait3A_261 = tpu.memref_slice %arg16[%dma_wait3A_259, %dma_wait3A_260] : memref<10240x128xf32, #tpu.memory_space<vmem_shared>> -> memref<10240x128xf32, #tpu.memory_space<vmem_shared>>
          tpu.wait_indirect_dma semaphore(%run_scoped3A : memref<!tpu.dma_semaphore, #tpu.memory_space<semaphore_mem>>) src(%arg14 : memref<80x128xf32, #tpu.memory_space<vmem>>) dst(%dma_wait3A_261 : memref<10240x128xf32, #tpu.memory_space<vmem_shared>>)
          tpu.yield
        }) : () -> ()
        %scan3A_255 = arith.constant 0 : i32
        scf.yield %scan3A_255 : i32
      }
      %scan3A_42 = arith.constant 5 : i32
      %scan3A_43 = arith.constant 0 : i32
      scf.yield %scan3A_43 : i32
    }
    %scan3A_32 = arith.constant 25 : i32
    %barrier3A_33 = arith.constant 0 : index
    tpu.barrier barrier_id(%barrier3A_33)
    "tpu.region"() ({
      %run_scoped3A = tpu.sem_alloc : memref<!tpu.dma_semaphore, #tpu.memory_space<semaphore_mem>>
      %dma_start3A = arith.constant 0 : i32
      %dma_start3A_34 = tpu.memref_slice %arg6[%arg0, %mul3A_2, %dma_start3A] : memref<2x10240x128xf32, #tpu.memory_space<hbm>> -> memref<1x640x128xf32, #tpu.memory_space<hbm>>
      %dma_start3A_35 = tpu.memref_squeeze %dma_start3A_34 : memref<1x640x128xf32, #tpu.memory_space<hbm>> -> memref<640x128xf32, #tpu.memory_space<hbm>>
      %dma_start3A_36 = arith.constant 0 : i32
      %dma_start3A_37 = tpu.memref_slice %arg16[%mul3A_2, %dma_start3A_36] : memref<10240x128xf32, #tpu.memory_space<vmem_shared>> -> memref<640x128xf32, #tpu.memory_space<vmem_shared>>
      tpu.enqueue_dma source(%dma_start3A_37 : memref<640x128xf32, #tpu.memory_space<vmem_shared>>) target(%dma_start3A_35 : memref<640x128xf32, #tpu.memory_space<hbm>>) target_semaphore(%run_scoped3A : memref<!tpu.dma_semaphore, #tpu.memory_space<semaphore_mem>>)
      %dma_wait3A = arith.constant 0 : i32
      %dma_wait3A_38 = tpu.memref_slice %arg6[%arg0, %mul3A_2, %dma_wait3A] : memref<2x10240x128xf32, #tpu.memory_space<hbm>> -> memref<1x640x128xf32, #tpu.memory_space<hbm>>
      %dma_wait3A_39 = tpu.memref_squeeze %dma_wait3A_38 : memref<1x640x128xf32, #tpu.memory_space<hbm>> -> memref<640x128xf32, #tpu.memory_space<hbm>>
      %dma_wait3A_40 = arith.constant 0 : i32
      %dma_wait3A_41 = tpu.memref_slice %arg16[%mul3A_2, %dma_wait3A_40] : memref<10240x128xf32, #tpu.memory_space<vmem_shared>> -> memref<640x128xf32, #tpu.memory_space<vmem_shared>>
      tpu.wait_dma2 semaphore(%run_scoped3A : memref<!tpu.dma_semaphore, #tpu.memory_space<semaphore_mem>>) src(%dma_wait3A_41 : memref<640x128xf32, #tpu.memory_space<vmem_shared>>) dst(%dma_wait3A_39 : memref<640x128xf32, #tpu.memory_space<hbm>>)
      tpu.yield
    }) : () -> ()
    "tpu.region"() ({
      %run_scoped3A = tpu.sem_alloc : memref<!tpu.dma_semaphore, #tpu.memory_space<semaphore_mem>>
      %dma_start3A = arith.constant 0 : i32
      %dma_start3A_34 = arith.constant 0 : i32
      %dma_start3A_35 = tpu.memref_slice %arg7[%add3A, %dma_start3A, %dma_start3A_34] : memref<32x1x10000xf32, #tpu.memory_space<hbm>> -> memref<1x1x10000xf32, #tpu.memory_space<hbm>>
      %dma_start3A_36 = tpu.memref_squeeze %dma_start3A_35 : memref<1x1x10000xf32, #tpu.memory_space<hbm>> -> memref<1x10000xf32, #tpu.memory_space<hbm>>
      %dma_start3A_37 = arith.constant 0 : i32
      %dma_start3A_38 = arith.constant 0 : i32
      %dma_start3A_39 = tpu.memref_slice %arg7[%add3A, %dma_start3A_37, %dma_start3A_38] : memref<32x1x10000xf32, #tpu.memory_space<hbm>> -> memref<1x1x10000xf32, #tpu.memory_space<hbm>>
      %dma_start3A_40 = tpu.memref_squeeze %dma_start3A_39 : memref<1x1x10000xf32, #tpu.memory_space<hbm>> -> memref<1x10000xf32, #tpu.memory_space<hbm>>
      tpu.enqueue_dma source(%arg15 : memref<1x10000xf32, #tpu.memory_space<vmem>>) target(%dma_start3A_40 : memref<1x10000xf32, #tpu.memory_space<hbm>>) target_semaphore(%run_scoped3A : memref<!tpu.dma_semaphore, #tpu.memory_space<semaphore_mem>>)
      %dma_wait3A = arith.constant 0 : i32
      %dma_wait3A_41 = arith.constant 0 : i32
      %dma_wait3A_42 = tpu.memref_slice %arg7[%add3A, %dma_wait3A, %dma_wait3A_41] : memref<32x1x10000xf32, #tpu.memory_space<hbm>> -> memref<1x1x10000xf32, #tpu.memory_space<hbm>>
      %dma_wait3A_43 = tpu.memref_squeeze %dma_wait3A_42 : memref<1x1x10000xf32, #tpu.memory_space<hbm>> -> memref<1x10000xf32, #tpu.memory_space<hbm>>
      %dma_wait3A_44 = arith.constant 0 : i32
      %dma_wait3A_45 = arith.constant 0 : i32
      %dma_wait3A_46 = tpu.memref_slice %arg7[%add3A, %dma_wait3A_44, %dma_wait3A_45] : memref<32x1x10000xf32, #tpu.memory_space<hbm>> -> memref<1x1x10000xf32, #tpu.memory_space<hbm>>
      %dma_wait3A_47 = tpu.memref_squeeze %dma_wait3A_46 : memref<1x1x10000xf32, #tpu.memory_space<hbm>> -> memref<1x10000xf32, #tpu.memory_space<hbm>>
      tpu.wait_dma2 semaphore(%run_scoped3A : memref<!tpu.dma_semaphore, #tpu.memory_space<semaphore_mem>>) src(%arg15 : memref<1x10000xf32, #tpu.memory_space<vmem>>) dst(%dma_wait3A_47 : memref<1x10000xf32, #tpu.memory_space<hbm>>)
      tpu.yield
    }) : () -> ()
    return
  }
}

module attributes {stable_mosaic.version = 14 : i64} {
  func.func @body(%arg0: i32, %arg1: memref<1000x128xf32, #tpu.memory_space<vmem>>, %arg2: memref<128x128xf32, #tpu.memory_space<vmem>>, %arg3: memref<8x128xf32, #tpu.memory_space<vmem>>, %arg4: memref<1000x128xf32, #tpu.memory_space<vmem>>, %arg5: memref<1x8x1000xf32, #tpu.memory_space<vmem>>) attributes {dimension_semantics = [#tpu.dimension_semantics<arbitrary>], iteration_bounds = array<i64: 10>, scalar_prefetch = 0 : i64, scratch_operands = 0 : i64, tpu.core_type = #tpu.core_type<tc>, window_params = [{transform_indices = @transform_0, window_bounds = array<i64: 1000, 128>}, {pipeline_mode = #tpu.pipeline_mode<synchronous>, transform_indices = @transform_1, window_bounds = array<i64: 128, 128>}, {pipeline_mode = #tpu.pipeline_mode<synchronous>, transform_indices = @transform_2, window_bounds = array<i64: 8, 128>}, {transform_indices = @transform_3, window_bounds = array<i64: 1000, 128>}, {transform_indices = @transform_4, window_bounds = array<i64: 1, 8, 1000>}]} {
    %get3A = arith.constant 0 : index
    %get3A_0 = arith.constant 0 : index
    %get3A_1 = vector.load %arg1[%get3A, %get3A_0] : memref<1000x128xf32, #tpu.memory_space<vmem>>, vector<1000x128xf32>
    %get3A_2 = arith.constant 0 : index
    %get3A_3 = arith.constant 0 : index
    %get3A_4 = vector.load %arg2[%get3A_2, %get3A_3] : memref<128x128xf32, #tpu.memory_space<vmem>>, vector<128x128xf32>
    %dot_general3A = arith.constant dense<0.000000e+00> : vector<1000x128xf32>
    %dot_general3A_5 = tpu.matmul %get3A_1, %get3A_4, %dot_general3A {dimension_numbers = #tpu.dot_dimension_numbers<[1], [0], [0], [1], [0, 0, 1, 1], [], []>, transpose_lhs_hint = false} : vector<1000x128xf32>, vector<128x128xf32>, vector<1000x128xf32> -> vector<1000x128xf32>
    %swap3A = arith.constant 0 : index
    %swap3A_6 = arith.constant 0 : index
    %swap3A_7 = vector.load %arg4[%swap3A, %swap3A_6] : memref<1000x128xf32, #tpu.memory_space<vmem>>, vector<1000x128xf32>
    tpu.vector_store %arg4[%swap3A, %swap3A_6], %dot_general3A_5 {strides = array<i32>} : memref<1000x128xf32, #tpu.memory_space<vmem>>, vector<1000x128xf32>,
    %get3A_8 = arith.constant 0 : index
    %get3A_9 = arith.constant 0 : index
    %get3A_10 = vector.load %arg3[%get3A_8, %get3A_9] : memref<8x128xf32, #tpu.memory_space<vmem>>, vector<8x128xf32>
    %dot_general3A_11 = arith.constant dense<0.000000e+00> : vector<8x1000xf32>
    %dot_general3A_12 = tpu.matmul %get3A_10, %get3A_1, %dot_general3A_11 {dimension_numbers = #tpu.dot_dimension_numbers<[1], [1], [0], [0], [0, 0, 1, 0], [], []>, transpose_lhs_hint = false} : vector<8x128xf32>, vector<1000x128xf32>, vector<8x1000xf32> -> vector<8x1000xf32>
    %broadcast_in_dim3A = vector.shape_cast %dot_general3A_12 : vector<8x1000xf32> to vector<1x8x1000xf32>
    %swap3A_13 = arith.constant 0 : index
    %swap3A_14 = arith.constant 0 : index
    %swap3A_15 = arith.constant 0 : index
    %swap3A_16 = vector.load %arg5[%swap3A_13, %swap3A_14, %swap3A_15] : memref<1x8x1000xf32, #tpu.memory_space<vmem>>, vector<1x8x1000xf32>
    tpu.vector_store %arg5[%swap3A_13, %swap3A_14, %swap3A_15], %broadcast_in_dim3A {strides = array<i32>} : memref<1x8x1000xf32, #tpu.memory_space<vmem>>, vector<1x8x1000xf32>,
    return
  }
  func.func @transform_0(%arg0: i32) -> (i32, i32) {
    %c0_i32 = arith.constant 0 : i32
    %c0_i32_0 = arith.constant 0 : i32
    return %arg0, %c0_i32 : i32, i32
  }
  func.func @transform_1(%arg0: i32) -> (i32, i32) {
    %c0_i32 = arith.constant 0 : i32
    %c0_i32_0 = arith.constant 0 : i32
    %c0_i32_1 = arith.constant 0 : i32
    return %c0_i32, %c0_i32_0 : i32, i32
  }
  func.func @transform_2(%arg0: i32) -> (i32, i32) {
    %c0_i32 = arith.constant 0 : i32
    %c0_i32_0 = arith.constant 0 : i32
    %c0_i32_1 = arith.constant 0 : i32
    return %c0_i32, %c0_i32_0 : i32, i32
  }
  func.func @transform_3(%arg0: i32) -> (i32, i32) {
    %c0_i32 = arith.constant 0 : i32
    %c0_i32_0 = arith.constant 0 : i32
    return %arg0, %c0_i32 : i32, i32
  }
  func.func @transform_4(%arg0: i32) -> (i32, i32, i32) {
    %c0_i32 = arith.constant 0 : i32
    %c0_i32_0 = arith.constant 0 : i32
    %c0_i32_1 = arith.constant 0 : i32
    return %arg0, %c0_i32, %c0_i32_0 : i32, i32, i32
  }
}

module attributes {stable_mosaic.version = 14 : i64} {
  func.func @body(%arg0: i32, %arg1: memref<2x1000x128xf32, #tpu.memory_space<vmem>>, %arg2: memref<1000x32xf32, #tpu.memory_space<vmem>>, %arg3: memref<1000x128xf32, #tpu.memory_space<vmem>>, %arg4: memref<1x128xf32, #tpu.memory_space<vmem>>, %arg5: memref<1x128xf32, #tpu.memory_space<vmem>>, %arg6: memref<1x128xf32, #tpu.memory_space<vmem>>, %arg7: memref<1000x128xf32, #tpu.memory_space<vmem>>) attributes {dimension_semantics = [#tpu.dimension_semantics<arbitrary>], iteration_bounds = array<i64: 10>, scalar_prefetch = 0 : i64, scratch_operands = 0 : i64, tpu.core_type = #tpu.core_type<tc>, window_params = [{transform_indices = @transform_0, window_bounds = array<i64: 2, 1000, 128>}, {transform_indices = @transform_1, window_bounds = array<i64: 1000, 32>}, {transform_indices = @transform_2, window_bounds = array<i64: 1000, 128>}, {pipeline_mode = #tpu.pipeline_mode<synchronous>, transform_indices = @transform_3, window_bounds = array<i64: 1, 128>}, {pipeline_mode = #tpu.pipeline_mode<synchronous>, transform_indices = @transform_4, window_bounds = array<i64: 1, 128>}, {pipeline_mode = #tpu.pipeline_mode<synchronous>, transform_indices = @transform_5, window_bounds = array<i64: 1, 128>}, {transform_indices = @transform_6, window_bounds = array<i64: 1000, 128>}]} {
    %get3A = arith.constant 0 : index
    %get3A_0 = arith.constant 0 : index
    %get3A_1 = arith.constant 0 : index
    %get3A_2 = vector.load %arg1[%get3A, %get3A_0, %get3A_1] : memref<2x1000x128xf32, #tpu.memory_space<vmem>>, vector<1x1000x128xf32>
    %get3A_3 = vector.shape_cast %get3A_2 : vector<1x1000x128xf32> to vector<1000x128xf32>
    %get3A_4 = arith.constant 1 : index
    %get3A_5 = arith.constant 0 : index
    %get3A_6 = arith.constant 0 : index
    %get3A_7 = vector.load %arg1[%get3A_4, %get3A_5, %get3A_6] : memref<2x1000x128xf32, #tpu.memory_space<vmem>>, vector<1x1000x128xf32>
    %get3A_8 = vector.shape_cast %get3A_7 : vector<1x1000x128xf32> to vector<1000x128xf32>
    %add3A = arith.addf %get3A_3, %get3A_8 : vector<1000x128xf32>
    %get3A_9 = arith.constant 0 : index
    %get3A_10 = arith.constant 0 : index
    %get3A_11 = vector.load %arg3[%get3A_9, %get3A_10] : memref<1000x128xf32, #tpu.memory_space<vmem>>, vector<1000x128xf32>
    %add3A_12 = arith.addf %add3A, %get3A_11 : vector<1000x128xf32>
    %get3A_13 = arith.constant 0 : index
    %get3A_14 = arith.constant 0 : index
    %get3A_15 = vector.load %arg2[%get3A_13, %get3A_14] : memref<1000x32xf32, #tpu.memory_space<vmem>>, vector<1000x32xf32>
    %reduce_sum3A = arith.constant dense<0.000000e+00> : vector<1000xf32>
    %reduce_sum3A_16 = vector.multi_reduction <add>, %get3A_15, %reduce_sum3A [1] : vector<1000x32xf32> to vector<1000xf32>
    %broadcast_in_dim3A = vector.shape_cast %reduce_sum3A_16 : vector<1000xf32> to vector<1000x1xf32>
    %add3A_17 = arith.constant 1.000000e+00 : f32
    %add3A_18 = vector.broadcast %add3A_17 : f32 to vector<1000x1xf32>
    %add3A_19 = arith.addf %broadcast_in_dim3A, %add3A_18 : vector<1000x1xf32>
    %add3A_20 = arith.constant 1.000000e-16 : f32
    %add3A_21 = vector.broadcast %add3A_20 : f32 to vector<1000x1xf32>
    %add3A_22 = arith.addf %add3A_19, %add3A_21 : vector<1000x1xf32>
    %div3A = vector.broadcast %add3A_22 : vector<1000x1xf32> to vector<1000x128xf32>
    %div3A_23 = arith.divf %add3A_12, %div3A : vector<1000x128xf32>
    %get3A_24 = arith.constant 0 : index
    %get3A_25 = arith.constant 0 : index
    %get3A_26 = vector.load %arg4[%get3A_24, %get3A_25] : memref<1x128xf32, #tpu.memory_space<vmem>>, vector<1x128xf32>
    %add3A_27 = vector.broadcast %get3A_26 : vector<1x128xf32> to vector<1000x128xf32>
    %add3A_28 = arith.addf %div3A_23, %add3A_27 : vector<1000x128xf32>
    %reduce_sum3A_29 = arith.constant dense<0.000000e+00> : vector<1000xf32>
    %reduce_sum3A_30 = vector.multi_reduction <add>, %add3A_28, %reduce_sum3A_29 [1] : vector<1000x128xf32> to vector<1000xf32>
    %broadcast_in_dim3A_31 = vector.shape_cast %reduce_sum3A_30 : vector<1000xf32> to vector<1000x1xf32>
    %div3A_32 = arith.constant 1.280000e+02 : f32
    %div3A_33 = vector.broadcast %div3A_32 : f32 to vector<1000x1xf32>
    %div3A_34 = arith.divf %broadcast_in_dim3A_31, %div3A_33 : vector<1000x1xf32>
    %sub3A = vector.broadcast %div3A_34 : vector<1000x1xf32> to vector<1000x128xf32>
    %sub3A_35 = arith.subf %add3A_28, %sub3A : vector<1000x128xf32>
    %integer_pow3A = arith.mulf %sub3A_35, %sub3A_35 : vector<1000x128xf32>
    %reduce_sum3A_36 = arith.constant dense<0.000000e+00> : vector<1000xf32>
    %reduce_sum3A_37 = vector.multi_reduction <add>, %integer_pow3A, %reduce_sum3A_36 [1] : vector<1000x128xf32> to vector<1000xf32>
    %broadcast_in_dim3A_38 = vector.shape_cast %reduce_sum3A_37 : vector<1000xf32> to vector<1000x1xf32>
    %div3A_39 = arith.constant 1.280000e+02 : f32
    %div3A_40 = vector.broadcast %div3A_39 : f32 to vector<1000x1xf32>
    %div3A_41 = arith.divf %broadcast_in_dim3A_38, %div3A_40 : vector<1000x1xf32>
    %sub3A_42 = vector.broadcast %div3A_34 : vector<1000x1xf32> to vector<1000x128xf32>
    %sub3A_43 = arith.subf %add3A_28, %sub3A_42 : vector<1000x128xf32>
    %add3A_44 = arith.constant 9.99999974E-6 : f32
    %add3A_45 = vector.broadcast %add3A_44 : f32 to vector<1000x1xf32>
    %add3A_46 = arith.addf %div3A_41, %add3A_45 : vector<1000x1xf32>
    %sqrt3A = math.sqrt %add3A_46 : vector<1000x1xf32>
    %div3A_47 = vector.broadcast %sqrt3A : vector<1000x1xf32> to vector<1000x128xf32>
    %div3A_48 = arith.divf %sub3A_43, %div3A_47 : vector<1000x128xf32>
    %get3A_49 = arith.constant 0 : index
    %get3A_50 = arith.constant 0 : index
    %get3A_51 = vector.load %arg5[%get3A_49, %get3A_50] : memref<1x128xf32, #tpu.memory_space<vmem>>, vector<1x128xf32>
    %mul3A = vector.broadcast %get3A_51 : vector<1x128xf32> to vector<1000x128xf32>
    %mul3A_52 = arith.mulf %div3A_48, %mul3A : vector<1000x128xf32>
    %get3A_53 = arith.constant 0 : index
    %get3A_54 = arith.constant 0 : index
    %get3A_55 = vector.load %arg6[%get3A_53, %get3A_54] : memref<1x128xf32, #tpu.memory_space<vmem>>, vector<1x128xf32>
    %add3A_56 = vector.broadcast %get3A_55 : vector<1x128xf32> to vector<1000x128xf32>
    %add3A_57 = arith.addf %mul3A_52, %add3A_56 : vector<1000x128xf32>
    %swap3A = arith.constant 0 : index
    %swap3A_58 = arith.constant 0 : index
    %swap3A_59 = vector.load %arg7[%swap3A, %swap3A_58] : memref<1000x128xf32, #tpu.memory_space<vmem>>, vector<1000x128xf32>
    tpu.vector_store %arg7[%swap3A, %swap3A_58], %add3A_57 {strides = array<i32>} : memref<1000x128xf32, #tpu.memory_space<vmem>>, vector<1000x128xf32>,
    return
  }
  func.func @transform_0(%arg0: i32) -> (i32, i32, i32) {
    %c0_i32 = arith.constant 0 : i32
    %c0_i32_0 = arith.constant 0 : i32
    %c0_i32_1 = arith.constant 0 : i32
    return %c0_i32, %arg0, %c0_i32_0 : i32, i32, i32
  }
  func.func @transform_1(%arg0: i32) -> (i32, i32) {
    %c0_i32 = arith.constant 0 : i32
    %c0_i32_0 = arith.constant 0 : i32
    return %arg0, %c0_i32 : i32, i32
  }
  func.func @transform_2(%arg0: i32) -> (i32, i32) {
    %c0_i32 = arith.constant 0 : i32
    %c0_i32_0 = arith.constant 0 : i32
    return %arg0, %c0_i32 : i32, i32
  }
  func.func @transform_3(%arg0: i32) -> (i32, i32) {
    %c0_i32 = arith.constant 0 : i32
    %c0_i32_0 = arith.constant 0 : i32
    %c0_i32_1 = arith.constant 0 : i32
    return %c0_i32, %c0_i32_0 : i32, i32
  }
  func.func @transform_4(%arg0: i32) -> (i32, i32) {
    %c0_i32 = arith.constant 0 : i32
    %c0_i32_0 = arith.constant 0 : i32
    %c0_i32_1 = arith.constant 0 : i32
    return %c0_i32, %c0_i32_0 : i32, i32
  }
  func.func @transform_5(%arg0: i32) -> (i32, i32) {
    %c0_i32 = arith.constant 0 : i32
    %c0_i32_0 = arith.constant 0 : i32
    %c0_i32_1 = arith.constant 0 : i32
    return %c0_i32, %c0_i32_0 : i32, i32
  }
  func.func @transform_6(%arg0: i32) -> (i32, i32) {
    %c0_i32 = arith.constant 0 : i32
    %c0_i32_0 = arith.constant 0 : i32
    return %arg0, %c0_i32 : i32, i32
  }
}

</mosaic_0001>

<sc_bundles>
// kernel: kernel.5.cloned.1.call-start
scs
__scs_entry_jumppad:
0x0: {  	(pc) =	sbr.rel $0x88, $3  }
0x1: {  	(tag) =	ssettag $0x0;
	lr =	simm.s32 $0x1  }
0x2: {  	[smem:$0x3F99] =	sst lr;
	_ =	strace $0xD0000000  }
0x3: {  	_ = 	snop  }
0x4: {  	_ = 	snop  }
0x5: {  	_ = 	snop  }
0x6: {  	_ = 	snop  }
0x7: {  	_ = 	snop  }
__scs_overlays_trampoline_lowered:
0x8: {  	[smem:$0x3FA8] =	sst s0  }
0x9: {  	[smem:$0x3FA9] =	sst s1  }
0xa: {  	[smem:$0x3FAA] =	sst s2  }
0xb: {  	[smem:$0x3FAB] =	sst s3  }
0xc: {  	[smem:$0x3FAC] =	sst s4  }
0xd: {  	[smem:$0x3FAD] =	sst s5  }
0xe: {  	[smem:$0x3FAE] =	sst s6  }
0xf: {  	[smem:$0x3FAF] =	sst s7  }
0x10: {  	[smem:$0x3FB0] =	sst s8  }
0x11: {  	[smem:$0x3FB1] =	sst s9;
	s0 =	simm.s32 @!p0 $0x0  }
0x12: {  	s1 =	sld [smem:$0x3F97];
	s0 =	simm.s32 @p0 $0x1  }
0x13: {  	[smem:$0x3FB2] =	sst s0;
	s0 =	simm.s32 @!p1 $0x0  }
0x14: {  	s2 =	sld [smem:$0x3F96];
	s0 =	simm.s32 @p1 $0x1  }
0x15: {  	[smem:$0x3FB3] =	sst s0;
	s0 =	simm.s32 @!p2 $0x0  }
0x16: {  	s3 =	sld [smem:$0x3FDB];
	s0 =	simm.s32 @p2 $0x1  }
0x17: {  	s4 =	simm.s32 $0x1BF5;
	[smem:$0x3FB5] =	sst s0  }
0x18: {  	s0 =	sld [smem:$0x3F98];
	_ =	swait.ge [sflag:s4], $0x0  }
0x19: {  	s7 =	sld [smem:$0x3F99]  }
0x1a: {  	s8 =	sadd.s32 $0xFFFFE003, lr  }
0x1b: {  	s9 =	sadd.s32 $0xFFFFFEF7, lr;
	s5 =	simm.s32 $0xFFFFFFFF;
	p2 =	slt.u32 s8, $0xFFFFF086  }
0x1c: {  	p1 =	slt.u32 s9, $0xF7A;
	s5 =	simm.s32 @!p2 $0x0  }
0x1d: {  	s5 =	simm.s32 @p1 $0x1;
	p0 =	seq.s32 s7, s2  }
0x1e: {  	s7 =	smul.u32 @!p0 $0xF7A, s2;
	p2 =	seq.s32 @!p0 s5, $0x0  }
0x1f: {  	s9 =	smul.u32 $0xF7A, s1;
	s8 =	simm.s32 @!p0 $0x1BF5;
	p2 =	por !p2, p0  }
0x20: {  	[sflag:s8] =	ssyncset.s32 @!p0 $0xFFFFF086;
	s6 =	sadd.s32 @!p0 s3, s7;
	s7 =	simm.s32 @!p0 $0x108  }
0x21: {  	s3 =	sadd.s32 s3, s9;
	s6 =	sadd.s32 @!p0 $0x88, s6;
	s7 =	simm.s32 @p2 $0x1082  }
0x22: {  	[simem:s7], [sflag:s8] =	dma.local @!p0 [hbm:s6], $0xF7A  }
0x23: {  	s9 =	sor.u32 $0xD0000000, s2;
	s6 =	simm.s32 $0x108;
	_ =	swait.ge @!p0 [sflag:s8], $0x0  }
0x24: {  	s3 =	sadd.s32 $0x88, s3;
	s6 =	simm.s32 @!p1 $0x1082;
	[sflag:s4] =	ssyncset.s32 $0xFFFFF086  }
0x25: {  	[simem:s6], [sflag:s4] =	dma.local [hbm:s3], $0xF7A  }
0x26: {  	[smem:$0x3F99] =	sst s1;
	(tag) =	ssettag s2;
	_ =	strace s9  }
0x27: {  	s1 =	sld [smem:$0x3FA9]  }
0x28: {  	s2 =	sld [smem:$0x3FAA]  }
0x29: {  	s4 =	sld [smem:$0x3FAC]  }
0x2a: {  	p0 =	seq.s32 s5, $0x0;
	s5 =	sld [smem:$0x3FAD]  }
0x2b: {  	s6 =	sld [smem:$0x3FAE]  }
0x2c: {  	s7 =	sld [smem:$0x3FAF]  }
0x2d: {  	s3 =	simm.s32 $0x108;
	s8 =	sld [smem:$0x3FB0]  }
0x2e: {  	s3 =	simm.s32 @!p0 $0x1082;
	s9 =	sld [smem:$0x3FB1]  }
0x2f: {  	lr =	sadd.s32 s0, s3;
	s0 =	sld [smem:$0x3FA8]  }
0x30: {  	s3 =	sld [smem:$0x3FAB]  }
0x31: {  	[smem:$0x3FB4] =	sst s10  }
0x32: {  	s10 =	sld [smem:$0x3FB2];
	_ =	sdelay $0x3  }
0x33: {  	p0 =	seq.s32 s10, $0x1;
	s10 =	sld [smem:$0x3FB4];
	_ =	sdelay $0x3  }
0x34: {  	[smem:$0x3FB4] =	sst s10  }
0x35: {  	s10 =	sld [smem:$0x3FB3];
	_ =	sdelay $0x3  }
0x36: {  	p1 =	seq.s32 s10, $0x1;
	s10 =	sld [smem:$0x3FB4];
	_ =	sdelay $0x3  }
0x37: {  	[smem:$0x3FB4] =	sst s10  }
0x38: {  	s10 =	sld [smem:$0x3FB5]  }
0x39: {  	_ = 	snop;
	(pc) =	sbr.ind lr, $3  }
0x3a: {  	_ = 	snop  }
0x3b: {  	_ = 	snop  }
0x3c: {  	p2 =	seq.s32 s10, $0x1;
	s10 =	sld [smem:$0x3FB4]  }
0x3d: {  	_ =	shalt  }
0x3e: {  	_ =	shalt  }
0x3f: {  	_ =	shalt  }
0x40: {  	_ =	shalt  }
0x41: {  	_ =	shalt  }
0x42: {  	_ =	shalt  }
0x43: {  	_ =	shalt  }
0x44: {  	_ =	shalt  }
0x45: {  	_ =	shalt  }
0x46: {  	_ =	shalt  }
0x47: {  	_ =	shalt  }
0x48: {  	_ =	shalt  }
0x49: {  	_ =	shalt  }
0x4a: {  	_ =	shalt  }
0x4b: {  	_ =	shalt  }
0x4c: {  	_ =	shalt  }
0x4d: {  	_ =	shalt  }
0x4e: {  	_ =	shalt  }
0x4f: {  	_ =	shalt  }
0x50: {  	_ =	shalt  }
0x51: {  	_ =	shalt  }
0x52: {  	_ =	shalt  }
0x53: {  	_ =	shalt  }
0x54: {  	_ =	shalt  }
0x55: {  	_ =	shalt  }
0x56: {  	_ =	shalt  }
0x57: {  	_ =	shalt  }
0x58: {  	_ =	shalt  }
0x59: {  	_ =	shalt  }
0x5a: {  	_ =	shalt  }
0x5b: {  	_ =	shalt  }
0x5c: {  	_ =	shalt  }
0x5d: {  	_ =	shalt  }
0x5e: {  	_ =	shalt  }
0x5f: {  	_ =	shalt  }
0x60: {  	_ =	shalt  }
0x61: {  	_ =	shalt  }
0x62: {  	_ =	shalt  }
0x63: {  	_ =	shalt  }
0x64: {  	_ =	shalt  }
0x65: {  	_ =	shalt  }
0x66: {  	_ =	shalt  }
0x67: {  	_ =	shalt  }
0x68: {  	_ =	shalt  }
0x69: {  	_ =	shalt  }
0x6a: {  	_ =	shalt  }
0x6b: {  	_ =	shalt  }
0x6c: {  	_ =	shalt  }
0x6d: {  	_ =	shalt  }
0x6e: {  	_ =	shalt  }
0x6f: {  	_ =	shalt  }
0x70: {  	_ =	shalt  }
0x71: {  	_ =	shalt  }
0x72: {  	_ =	shalt  }
0x73: {  	_ =	shalt  }
0x74: {  	_ =	shalt  }
0x75: {  	_ =	shalt  }
0x76: {  	_ =	shalt  }
0x77: {  	_ =	shalt  }
0x78: {  	_ =	shalt  }
0x79: {  	_ =	shalt  }
0x7a: {  	_ =	shalt  }
0x7b: {  	_ =	shalt  }
0x7c: {  	_ =	shalt  }
0x7d: {  	_ =	shalt  }
0x7e: {  	_ =	shalt  }
0x7f: {  	_ =	shalt  }
0x80: {  	_ =	shalt  }
0x81: {  	_ =	shalt  }
0x82: {  	_ =	shalt  }
0x83: {  	_ =	shalt  }
0x84: {  	_ =	shalt  }
0x85: {  	_ =	shalt  }
0x86: {  	_ =	shalt  }
0x87: {  	_ =	shalt  }
.Lfunc_end0:
.L_simem_size_0:
called_computation_lowered:
.L_overlay_start_0:
0x88: {  	s2 =	sld [smem:$0x3FD9]  }
0x89: {  	s3 =	sld [smem:$0x3FFE];
	_ =	sdelay $0x1  }
0x8a: {  	s1 =	srdreg.scid  }
0x8b: {  	s0 =	sand.u32 $0x1, s1  }
0x8c: {  	s17 =	sshll.u32 s0, $0xA;
	s2 =	sadd.s32 s3, s2  }
0x8d: {  	s2 =	sadd.s32 s2, s17  }
0x8e: {  	[smem:$0x3FC0] =	sst s2  }
0x8f: {  	_ = 	snop  }
0x90: {  	s2 =	sld [smem:$0x3FD0];
	(tm) =	ssettm $0x1  }
0x91: {  	s18 =	sld [smem:$0x3FFB];
	_ =	sdelay $0x3  }
0x92: {  	_ =	strace s18  }
0x93: {  	s3 =	sld [smem:$0x3FFC];
	_ =	sdelay $0x3  }
0x94: {  	_ =	strace s3  }
0x95: {  	s3 =	sld [smem:$0x3FFD];
	_ =	sdelay $0x3  }
0x96: {  	_ =	strace s3  }
0x97: {  	_ =	strace $0x8FFFFFFF  }
0x98: {  	s19 =	sld [smem:$0x3FDB];
	_ =	sdelay $0x1  }
0x99: {  	s4 =	simm.s32 $_scs_section_size  }
0x9a: {  	s5 =	simm.s32 $_size__tile_overlayer_lowered;
	s6 =	simm.s32 $_tile_overlayer_lowered  }
0x9b: {  	s22 =	simm.s32 $0x1BFF;
	s21 =	sshll.u32 s6, $0x1;
	s3 =	sadd.s32 s4, s19  }
0x9c: {  	s7 =	simm.s32 $0x0;
	s20 =	sshll.u32 s5, $0x1;
	s5 =	sadd.s32 s21, s3  }
0x9d: {  	[timem:s7], [sflag:s22] =	dma.local [hbm:s5], s20  }
0x9e: {  	_ =	swait.ge [sflag:s22], s20  }
0x9f: {  	s4 =	ssub.s32 $0x0, s20;
	[sflag:s22] =	ssyncset.done $0x0  }
0xa0: {  	[sflag:s22] =	ssyncadd.s32 s4;
	_ =	sdelay $0x1  }
0xa1: {  	s23 =	simm.s32 $0x1B8B  }
0xa2: {  	_ =	swait.ge [sflag:s23], $0x1  }
0xa3: {  	[sflag:s23] =	ssyncset.done $0x0  }
0xa4: {  	s25 =	simm.s32 $0x1B8E;
	s24 =	sld [smem:$0x3FFE];
	[sflag:s23] =	ssyncadd.s32 $0xFFFFFFFF  }
0xa5: {  	s26 =	simm.s32 $execute0_lowered;
	[smem:$0x3FD2] =	sst s25  }
0xa6: {  	s5 =	sshll.u32 s26, $0x1;
	_ =	strace $0x80000046;
	[dreg:$0x1] =	wrdreg $0xFFFFFFFF  }
0xa7: {  	s28 =	simm.s32 $_size_execute0_lowered;
	s3 =	sadd.s32 s3, s5;
	[dreg:$0x0] =	wrdreg $0x0  }
0xa8: {  	s5 =	sshll.u32 s28, $0x1;
	[dreg:$0x2] =	wrdreg s3  }
0xa9: {  	[dreg:$0x3] =	wrdreg s5  }
0xaa: {  	[dreg:$0x4] =	wrdreg $0xC0  }
0xab: {  	_ =	task [dreg:s7], $0x5FFFF  }
0xac: {  	[dreg:$0x1] =	wrdreg $0xFFFFFFFF  }
0xad: {  	[dreg:$0x0] =	wrdreg $0x60  }
0xae: {  	[dreg:$0x2] =	wrdreg s24  }
0xaf: {  	[dreg:$0x3] =	wrdreg s2  }
0xb0: {  	[dreg:$0x4] =	wrdreg $0xA5000  }
0xb1: {  	[dreg:$0x5] =	wrdreg $0x9  }
0xb2: {  	_ =	task.clear_ibuf [dreg:s7], $0x6FFFF;
	_ =	strace $0x90000046  }
0xb3: {  	s29 =	simm.s32 $0x9;
	_ =	strace $0x80000048  }
0xb4: {  	_ =	swait.ge [sflag:s29], $0x1  }
0xb5: {  	[sflag:s29] =	ssyncadd.s32 $0xFFFFFFFF  }
0xb6: {  	_ =	strace $0x90000048  }
0xb7: {  	_ =	sfence  }
0xb8: {  	s30 =	sld [smem:$0x0];
	_ =	sdelay $0x2  }
0xb9: {  	s31 =	sshll.u32 s1, $0xD;
	s1 =	sshrl.u32 s1, $0x2  }
0xba: {  	s3 =	sand.u32 $0x4000, s31;
	s1 =	sadd.s32 s1, s30  }
0xbb: {  	s0 =	sor.u32 s3, s0;
	s1 =	sshll.u32 s1, $0x11  }
0xbc: {  	s0 =	sor.u32 s1, s0  }
0xbd: {  	s0 =	sadd.s32 $0x8F2B, s0  }
0xbe: {  	[sflag:s0] =	ssyncadd.remote.s32 $0x1  }
0xbf: {  	_ =	sfence.sel $0xFFFF  }
0xc0: {  	[dreg:$0x0] =	wrdreg $0xFFFFFFFF;
	(pc) =	sbr.abs _section_cstart, $3  }
0xc1: {  	[dreg:$0x1] =	wrdreg $0xFFFFFFFF  }
0xc2: {  	_ =	task.clear_ibuf [dreg:s7], $0x2FFFF;
	_ =	strace $0x9FFFFFFF  }
0xc3: {  	(tm) =	ssettm $0x7FFFFFFF  }
tec
execute0_lowered:
.L_overlay_start_1:
0x0: {  	(tag) =	ssettag $0x1  }
0x1: {  	s0 =	rddreg [dreg:$0x0]  }
0x2: {  	s1 =	rddreg [dreg:$0x1]  }
0x3: {  	s2 =	rddreg [dreg:$0x2];
	s3 =	simm.s32 $0x0  }
0x4: {  	s4 =	srdreg.scid;
	s10 =	stileid.u32;
	s20 =	simm.s32 $0x600  }
0x5: {  	s28 =	simm.s32 $0x1;
	s29 =	simm.s32 $0x5500;
	s30 =	simm.s32 $0x580  }
0x6: {  	s31 =	simm.s32 $0x0;
	[smem:$0x7FF] =	sst s3;
	s4 =	sand.u32 $0x1, s4  }
0x7: {  	s5 =	sadd.s32 $0x1C00, s0;
	s7 =	smul.u32 $0x14000, s10;
	s8 =	sshll.u32 s10, $0x1  }
0x8: {  	s9 =	sadd.s32 $0x1600, s0;
	s21 =	sadd.s32 $0x1000, s0;
	s10 =	smul.u32 $0x50000, s10  }
0x9: {  	_ =	strace $0x80000047;
	s6 =	smul.u32 $0x140000, s4;
	[dreg:$0x4] =	wrdreg s9  }
0xa: {  	[dreg:$0x5] =	wrdreg s21;
	s8 =	sor.u32 s4, s8;
	s4 =	ssub.s32 $0x2, s4  }
0xb: {  	s21 =	simm.s32 $0x2;
	s22 =	smul.u32 $0x4F0, s8;
	s23 =	sshrl.u32 s4, $0x1  }
0xc: {  	s8 =	smul.u32 $0x7D00, s8;
	s24 =	sshrl.u32 s10, $0x2;
	s6 =	sadd.s32 s7, s6  }
0xd: {  	s4 =	ssub.s32 s4, s23;
	s10 =	sadd.s32 s24, s2;
	s23 =	simm.s32 $0x5580  }
0xe: {  	s24 =	simm.s32 $0x50;
	s6 =	sshrl.u32 s6, $0x3;
	s25 =	smax.u32 s4, $0x1  }
0xf: {  	s26 =	sadd.s32 $0x2800, s10;
	s14 =	sadd.s32 $0x5000, s10;
	s15 =	sadd.s32 $0x7800, s10  }
0x10: {  	s16 =	sadd.s32 $0xA000, s10;
	s17 =	sadd.s32 $0xC800, s10;
	s18 =	sadd.s32 $0xF000, s10  }
0x11: {  	s19 =	sadd.s32 $0x11800, s10;
	s6 =	sadd.s32 s6, s0;
	[dreg:$0x8] =	wrdreg s25  }
0x12: {  	s0 =	sadd.s32 s22, s0;
	[dreg:$0x9] =	wrdreg s26;
	s6 =	sadd.s32 $0x2AE00, s6  }
0x13: {  	s22 =	simm.s32 $0x2D80;
	s0 =	sadd.s32 $0x21000, s0;
	[dreg:$0x6] =	wrdreg s6  }
0x14: {  	v0 =	vimm.f32 $0.0e+00;
	s25 =	simm.s32 $0x500;
	s26 =	simm.s32 $0x7D80;
	[dreg:$0x7] =	wrdreg s0  }
.LBB2_1:
0x15: {  	s0 =	rddreg [dreg:$0x4]  }
0x16: {  	[tilespmem:s20], [sflag:$0x2] =	stream.linear.gather [hbm4b:s0+s3], $0x2780, $0x38;
	[tilespmem:$0x1E500] =	vst v63  }
0x17: {  	_ =	swait.ge [sflag:s21], $0x2780  }
0x18: {  	[sflag:s21] =	ssyncset.done $0x0  }
0x19: {  	s13 =	rddreg [dreg:$0x5];
	[sflag:s21] =	ssyncadd.s32 $0xFFFFD880  }
0x1a: {  	[tilespmem:s22], [sflag:$0x2] =	stream.linear.gather [hbm4b:s13+s3], $0x2780, $0x38;
	[tilespmem:$0x1E500] =	vst v63  }
0x1b: {  	_ =	swait.ge [sflag:s21], $0x2780  }
0x1c: {  	[sflag:s21] =	ssyncset.done $0x0  }
0x1d: {  	s0 =	simm.s32 $0x0;
	[sflag:s21] =	ssyncadd.s32 $0xFFFFD880  }
.LBB2_2:
0x1e: {  	p0 =	sne.s32 s0, $0x9C00  }
.Ltmp0:
0x1f: {  	_ = 	snop;
	(pc) =	sbr.rel @p0 .LBB2_2-.Ltmp0, $3  }
0x20: {  	_ =	sdelay $0x1  }
0x21: {  	s4 =	sshra.s32 s0, $0x2  }
0x22: {  	s0 =	sadd.s32 $0x40, s0;
	[tilespmem:s4+$0x7D80] =	vst v0  }
0x23: {  	s0 =	simm.s32 $0x0;
	s4 =	simm.s32 $0x200  }
.LBB2_4:
0x24: {  	p0 =	sne.s32 s4, $0x9E00;
	[tilespmem:s0+$0x55F0] =	vst v0  }
0x25: {  	[tilespmem:s0+$0x5580] =	vst v0  }
0x26: {  	[tilespmem:s0+$0x5590] =	vst v0  }
.Ltmp1:
0x27: {  	[tilespmem:s0+$0x55A0] =	vst v0;
	(pc) =	sbr.rel @p0 .LBB2_4-.Ltmp1, $4  }
0x28: {  	[tilespmem:s0+$0x55B0] =	vst v0  }
0x29: {  	[tilespmem:s0+$0x55C0] =	vst v0  }
0x2a: {  	[tilespmem:s0+$0x55D0] =	vst v0  }
0x2b: {  	[tilespmem:s0+$0x55E0] =	vst v0;
	s0 =	sshra.s32 s4, $0x2;
	s4 =	sadd.s32 $0x200, s4  }
0x2c: {  	[tilespmem:s0+$0x55F0] =	vst v0  }
0x2d: {  	[tilespmem:s0+$0x5580] =	vst v0  }
0x2e: {  	[tilespmem:s0+$0x5590] =	vst v0  }
0x2f: {  	[tilespmem:s0+$0x55A0] =	vst v0  }
0x30: {  	[tilespmem:s0+$0x55B0] =	vst v0  }
0x31: {  	[tilespmem:s0+$0x55C0] =	vst v0  }
0x32: {  	[tilespmem:s0+$0x55D0] =	vst v0  }
0x33: {  	[tilespmem:s0+$0x55E0] =	vst v0  }
0x34: {  	[spmem:s10] =	stream.linear.scatter [tilespmem:s23], [sflag:$0x2], $0x2800, $0x38;
	[tilespmem:$0x1E500] =	vst v63  }
0x35: {  	_ =	swait.ge [sflag:s21], $0x2800  }
0x36: {  	[sflag:s21] =	ssyncset.done $0x0  }
0x37: {  	s13 =	rddreg [dreg:$0x9];
	[sflag:s21] =	ssyncadd.s32 $0xFFFFD800  }
0x38: {  	[spmem:s13] =	stream.linear.scatter [tilespmem:s23], [sflag:$0x2], $0x2800, $0x38;
	[tilespmem:$0x1E500] =	vst v63  }
0x39: {  	_ =	swait.ge [sflag:s21], $0x2800  }
0x3a: {  	[sflag:s21] =	ssyncset.done $0x0  }
0x3b: {  	[sflag:s21] =	ssyncadd.s32 $0xFFFFD800  }
0x3c: {  	[spmem:s14] =	stream.linear.scatter [tilespmem:s23], [sflag:$0x2], $0x2800, $0x38;
	[tilespmem:$0x1E500] =	vst v63  }
0x3d: {  	_ =	swait.ge [sflag:s21], $0x2800  }
0x3e: {  	[sflag:s21] =	ssyncset.done $0x0  }
0x3f: {  	[sflag:s21] =	ssyncadd.s32 $0xFFFFD800  }
0x40: {  	[spmem:s15] =	stream.linear.scatter [tilespmem:s23], [sflag:$0x2], $0x2800, $0x38;
	[tilespmem:$0x1E500] =	vst v63  }
0x41: {  	_ =	swait.ge [sflag:s21], $0x2800  }
0x42: {  	[sflag:s21] =	ssyncset.done $0x0  }
0x43: {  	[sflag:s21] =	ssyncadd.s32 $0xFFFFD800  }
0x44: {  	[spmem:s16] =	stream.linear.scatter [tilespmem:s23], [sflag:$0x2], $0x2800, $0x38;
	[tilespmem:$0x1E500] =	vst v63  }
0x45: {  	_ =	swait.ge [sflag:s21], $0x2800  }
0x46: {  	[sflag:s21] =	ssyncset.done $0x0  }
0x47: {  	[sflag:s21] =	ssyncadd.s32 $0xFFFFD800  }
0x48: {  	[spmem:s17] =	stream.linear.scatter [tilespmem:s23], [sflag:$0x2], $0x2800, $0x38;
	[tilespmem:$0x1E500] =	vst v63  }
0x49: {  	_ =	swait.ge [sflag:s21], $0x2800  }
0x4a: {  	[sflag:s21] =	ssyncset.done $0x0  }
0x4b: {  	[sflag:s21] =	ssyncadd.s32 $0xFFFFD800  }
0x4c: {  	[spmem:s18] =	stream.linear.scatter [tilespmem:s23], [sflag:$0x2], $0x2800, $0x38;
	[tilespmem:$0x1E500] =	vst v63  }
0x4d: {  	_ =	swait.ge [sflag:s21], $0x2800  }
0x4e: {  	[sflag:s21] =	ssyncset.done $0x0  }
0x4f: {  	[sflag:s21] =	ssyncadd.s32 $0xFFFFD800  }
0x50: {  	[spmem:s19] =	stream.linear.scatter [tilespmem:s23], [sflag:$0x2], $0x2800, $0x38;
	[tilespmem:$0x1E500] =	vst v63  }
0x51: {  	_ =	swait.ge [sflag:s21], $0x2800  }
0x52: {  	[sflag:s21] =	ssyncset.done $0x0  }
0x53: {  	[sflag:s21] =	ssyncadd.s32 $0xFFFFD800  }
0x54: {  	s0 =	simm.s32 $0x0;
	s4 =	simm.s32 $0x0;
	[bflag:$0x0] =	sbarrier.arrive $0xFFFF  }
.LBB2_6:
0x55: {  	s6 =	smul.u32 $0x500, s4;
	_ =	sdelay $0x1  }
0x56: {  	s6 =	sadd.s32 s8, s6  }
0x57: {  	s6 =	sshrl.u32 s6, $0x3  }
0x58: {  	s6 =	sadd.s32 s5, s6  }
0x59: {  	[tilespmem:s0], [sflag:$0x2] =	stream.linear.gather [hbm4b:s6+s0], $0x500, $0x38;
	[tilespmem:$0x1E500] =	vst v63  }
0x5a: {  	_ =	swait.ge [sflag:s21], $0x500  }
0x5b: {  	[sflag:s21] =	ssyncset.done $0x0  }
0x5c: {  	s6 =	simm.s32 $0x0;
	[sflag:s21] =	ssyncadd.s32 $0xFFFFFB00  }
.LBB2_7:
0x5d: {  	s7 =	sshll.u32 s6, $0x8  }
0x5e: {  	s7 =	sand.u32 $0x3FFFFF00, s7  }
0x5f: {  	v1 =	vld [tilespmem:s7+$0x0];
	_ =	sdelay $0x4  }
0x60: {  	[tilespmem:$0x500] =	vst v1  }
0x61: {  	v1 =	vld [tilespmem:s7+$0x50];
	_ =	sdelay $0x4  }
0x62: {  	[tilespmem:$0x580] =	vst v1  }
0x63: {  	v1 =	vld [tilespmem:s7+$0x10];
	_ =	sdelay $0x4  }
0x64: {  	[tilespmem:$0x510] =	vst v1  }
0x65: {  	v1 =	vld [tilespmem:s7+$0x60];
	_ =	sdelay $0x4  }
0x66: {  	[tilespmem:$0x590] =	vst v1  }
0x67: {  	v1 =	vld [tilespmem:s7+$0x20];
	_ =	sdelay $0x4  }
0x68: {  	[tilespmem:$0x520] =	vst v1  }
0x69: {  	v1 =	vld [tilespmem:s7+$0x70];
	_ =	sdelay $0x4  }
0x6a: {  	[tilespmem:$0x5A0] =	vst v1  }
0x6b: {  	v1 =	vld [tilespmem:s7+$0x30];
	_ =	sdelay $0x4  }
0x6c: {  	[tilespmem:$0x530] =	vst v1  }
0x6d: {  	v1 =	vld [tilespmem:s7+$0x80];
	_ =	sdelay $0x4  }
0x6e: {  	[tilespmem:$0x5B0] =	vst v1  }
0x6f: {  	v1 =	vld [tilespmem:s7+$0x40];
	_ =	sdelay $0x4  }
0x70: {  	[tilespmem:$0x540] =	vst v1  }
0x71: {  	v1 =	vld [tilespmem:s7+$0x90];
	_ =	sdelay $0x4  }
0x72: {  	[tilespmem:$0x5C0] =	vst v1  }
0x73: {  	[tilespmem:s23], [sflag:$0x1] =	stream.indirect.gather [hbm4b:s1+s24], $0x80, s25, s24, $0xb8;
	[tilespmem:$0x1E500] =	vst v63  }
0x74: {  	v1 =	vld [tilespmem:$0x500]  }
0x75: {  	v2 =	vld [tilespmem:$0x580];
	_ =	sdelay $0x6  }
0x76: {  	v1 =	vld.idx.msk [tilespmem:v1+s20+$0x0], $0xffff  }
0x77: {  	v3 =	vld.idx.msk [tilespmem:v2+s22+$0x0], $0xffff  }
0x78: {  	v4 =	vld.idx.msk [tilespmem:v2+s20+$0x0], $0xffff;
	_ =	sdelay $0x4  }
0x79: {  	v1 =	vadd.f32 v3, v1;
	v3 =	vadd.f32 v4, v3;
	_ =	sdelay $0x1  }
0x7a: {  	v4 =	vmul.f32 $2.000000030e-01, v1;
	v5 =	vmul.f32 $2.000000030e-01, v3  }
0x7b: {  	vm0 =	vge.f32 v1, $0.0e+00;
	vm1 =	vge.f32 v3, $0.0e+00  }
0x7c: {  	v1 =	vsel vm0, v1, v4;
	v3 =	vsel vm1, v3, v5  }
0x7d: {  	v1 =	vsub.f32 v1, v3;
	_ =	sdelay $0x1  }
0x7e: {  	v1 =	vmul.f32 $1.442695020e+00, v1;
	_ =	sdelay $0x1  }
0x7f: {  	(erf) = vpow2.f32 v1;
	_ =	sdelay $0x8  }
0x80: {  	v1 =	vpop (erf)  }
0x81: {  	[tilespmem:$0x5500] =	vst v1  }
0x82: {  	[tilespmem:v2+s26+$0x0] =	vst.idx.add.f32.msk $0xffff, v1  }
0x83: {  	v1 =	vld [tilespmem:$0x510]  }
0x84: {  	v2 =	vld [tilespmem:$0x590];
	_ =	sdelay $0x6  }
0x85: {  	v1 =	vld.idx.msk [tilespmem:v1+s20+$0x0], $0xffff  }
0x86: {  	v3 =	vld.idx.msk [tilespmem:v2+s22+$0x0], $0xffff  }
0x87: {  	v4 =	vld.idx.msk [tilespmem:v2+s20+$0x0], $0xffff;
	_ =	sdelay $0x4  }
0x88: {  	v1 =	vadd.f32 v3, v1;
	v3 =	vadd.f32 v4, v3;
	_ =	sdelay $0x1  }
0x89: {  	v4 =	vmul.f32 $2.000000030e-01, v1;
	v5 =	vmul.f32 $2.000000030e-01, v3  }
0x8a: {  	vm8 =	vge.f32 v1, $0.0e+00;
	vm9 =	vge.f32 v3, $0.0e+00  }
0x8b: {  	v1 =	vsel vm8, v1, v4;
	v3 =	vsel vm9, v3, v5  }
0x8c: {  	v1 =	vsub.f32 v1, v3;
	_ =	sdelay $0x1  }
0x8d: {  	v1 =	vmul.f32 $1.442695020e+00, v1;
	_ =	sdelay $0x1  }
0x8e: {  	(erf) = vpow2.f32 v1;
	_ =	sdelay $0x8  }
0x8f: {  	v1 =	vpop (erf)  }
0x90: {  	[tilespmem:$0x5510] =	vst v1  }
0x91: {  	[tilespmem:v2+s26+$0x0] =	vst.idx.add.f32.msk $0xffff, v1  }
0x92: {  	v1 =	vld [tilespmem:$0x520]  }
0x93: {  	v2 =	vld [tilespmem:$0x5A0];
	_ =	sdelay $0x6  }
0x94: {  	v1 =	vld.idx.msk [tilespmem:v1+s20+$0x0], $0xffff  }
0x95: {  	v3 =	vld.idx.msk [tilespmem:v2+s22+$0x0], $0xffff  }
0x96: {  	v4 =	vld.idx.msk [tilespmem:v2+s20+$0x0], $0xffff;
	_ =	sdelay $0x4  }
0x97: {  	v1 =	vadd.f32 v3, v1;
	v3 =	vadd.f32 v4, v3;
	_ =	sdelay $0x1  }
0x98: {  	v4 =	vmul.f32 $2.000000030e-01, v1;
	v5 =	vmul.f32 $2.000000030e-01, v3  }
0x99: {  	vm10 =	vge.f32 v1, $0.0e+00;
	vm11 =	vge.f32 v3, $0.0e+00  }
0x9a: {  	v1 =	vsel vm10, v1, v4;
	v3 =	vsel vm11, v3, v5  }
0x9b: {  	v1 =	vsub.f32 v1, v3;
	_ =	sdelay $0x1  }
0x9c: {  	v1 =	vmul.f32 $1.442695020e+00, v1;
	_ =	sdelay $0x1  }
0x9d: {  	(erf) = vpow2.f32 v1;
	_ =	sdelay $0x8  }
0x9e: {  	v1 =	vpop (erf)  }
0x9f: {  	[tilespmem:$0x5520] =	vst v1  }
0xa0: {  	[tilespmem:v2+s26+$0x0] =	vst.idx.add.f32.msk $0xffff, v1  }
0xa1: {  	v1 =	vld [tilespmem:$0x530]  }
0xa2: {  	v2 =	vld [tilespmem:$0x5B0];
	_ =	sdelay $0x6  }
0xa3: {  	v1 =	vld.idx.msk [tilespmem:v1+s20+$0x0], $0xffff  }
0xa4: {  	v3 =	vld.idx.msk [tilespmem:v2+s22+$0x0], $0xffff  }
0xa5: {  	v4 =	vld.idx.msk [tilespmem:v2+s20+$0x0], $0xffff;
	_ =	sdelay $0x4  }
0xa6: {  	v1 =	vadd.f32 v3, v1;
	v3 =	vadd.f32 v4, v3;
	_ =	sdelay $0x1  }
0xa7: {  	v4 =	vmul.f32 $2.000000030e-01, v1;
	v5 =	vmul.f32 $2.000000030e-01, v3  }
0xa8: {  	vm12 =	vge.f32 v1, $0.0e+00;
	vm13 =	vge.f32 v3, $0.0e+00  }
0xa9: {  	v1 =	vsel vm12, v1, v4;
	v3 =	vsel vm13, v3, v5  }
0xaa: {  	v1 =	vsub.f32 v1, v3;
	_ =	sdelay $0x1  }
0xab: {  	v1 =	vmul.f32 $1.442695020e+00, v1;
	_ =	sdelay $0x1  }
0xac: {  	(erf) = vpow2.f32 v1;
	_ =	sdelay $0x8  }
0xad: {  	v1 =	vpop (erf)  }
0xae: {  	[tilespmem:$0x5530] =	vst v1  }
0xaf: {  	[tilespmem:v2+s26+$0x0] =	vst.idx.add.f32.msk $0xffff, v1  }
0xb0: {  	v1 =	vld [tilespmem:$0x540]  }
0xb1: {  	v2 =	vld [tilespmem:$0x5C0];
	_ =	sdelay $0x6  }
0xb2: {  	v1 =	vld.idx.msk [tilespmem:v1+s20+$0x0], $0xffff  }
0xb3: {  	v3 =	vld.idx.msk [tilespmem:v2+s22+$0x0], $0xffff  }
0xb4: {  	v4 =	vld.idx.msk [tilespmem:v2+s20+$0x0], $0xffff;
	_ =	sdelay $0x4  }
0xb5: {  	v1 =	vadd.f32 v3, v1;
	v3 =	vadd.f32 v4, v3;
	_ =	sdelay $0x1  }
0xb6: {  	v4 =	vmul.f32 $2.000000030e-01, v1;
	v5 =	vmul.f32 $2.000000030e-01, v3  }
0xb7: {  	vm14 =	vge.f32 v1, $0.0e+00;
	vm15 =	vge.f32 v3, $0.0e+00  }
0xb8: {  	v1 =	vsel vm14, v1, v4;
	v3 =	vsel vm15, v3, v5  }
0xb9: {  	v1 =	vsub.f32 v1, v3;
	_ =	sdelay $0x1  }
0xba: {  	v1 =	vmul.f32 $1.442695020e+00, v1;
	_ =	sdelay $0x1  }
0xbb: {  	(erf) = vpow2.f32 v1;
	_ =	sdelay $0x7  }
0xbc: {  	s12 =	simm.s32 $0x0  }
0xbd: {  	v3 =	vmov s12;
	v1 =	vpop (erf)  }
0xbe: {  	v3 =	vand.u32 $0xFFFFFFFC, v3;
	[tilespmem:$0x5540] =	vst v1  }
0xbf: {  	[tilespmem:v2+s26+$0x0] =	vst.idx.add.f32.msk $0xffff, v1;
	v1 =	vbroadcast v3, $0x0;
	_ =	sdelay $0x1  }
0xc0: {  	_ =	swait.ge [sflag:s28], $0x2800  }
0xc1: {  	[sflag:s28] =	ssyncset.done $0x0  }
0xc2: {  	s7 =	simm.s32 $0x5680;
	[sflag:s28] =	ssyncadd.s32 $0xFFFFD800  }
0xc3: {  	v3 =	vld [tilespmem:s7+$0xFFFFFF70]  }
0xc4: {  	v1 =	vld.idx.msk [tilespmem:v1+s29+$0x0], $0xffff  }
0xc5: {  	v4 =	vld [tilespmem:s7+$0xFFFFFF00]  }
0xc6: {  	v5 =	vld [tilespmem:s7+$0xFFFFFF20]  }
0xc7: {  	v6 =	vld [tilespmem:s7+$0xFFFFFF30]  }
0xc8: {  	v2 =	vld [tilespmem:s7+$0xFFFFFF50]  }
0xc9: {  	v8 =	vld [tilespmem:s7+$0xFFFFFF10];
	v3 =	vmul.f32 v3, v1  }
0xca: {  	s9 =	simm.s32 $0x1;
	v7 =	vld [tilespmem:s7+$0xFFFFFF60];
	v4 =	vmul.f32 v4, v1  }
0xcb: {  	v9 =	vld [tilespmem:s7+$0xFFFFFF40];
	v5 =	vmul.f32 v5, v1;
	[tilespmem:s7+$0xFFFFFF70] =	vst v3;
	v3 =	vmov s9  }
0xcc: {  	v6 =	vmul.f32 v6, v1;
	[tilespmem:s7+$0xFFFFFF00] =	vst v4;
	v3 =	vand.u32 $0xFFFFFFFD, v3  }
0xcd: {  	v2 =	vmul.f32 v2, v1;
	[tilespmem:s7+$0xFFFFFF20] =	vst v5;
	v3 =	vbroadcast v3, $0x0  }
0xce: {  	v4 =	vmul.f32 v8, v1;
	[tilespmem:s7+$0xFFFFFF30] =	vst v6  }
0xcf: {  	v5 =	vmul.f32 v7, v1;
	[tilespmem:s7+$0xFFFFFF50] =	vst v2  }
0xd0: {  	v1 =	vmul.f32 v9, v1;
	[tilespmem:s7+$0xFFFFFF10] =	vst v4  }
0xd1: {  	[tilespmem:s7+$0xFFFFFF60] =	vst v5  }
0xd2: {  	[tilespmem:s7+$0xFFFFFF40] =	vst v1;
	v1 =	vld [tilespmem:s7+$0xFFFFFF80]  }
0xd3: {  	v3 =	vld.idx.msk [tilespmem:v3+s29+$0x0], $0xffff  }
0xd4: {  	v2 =	vld [tilespmem:s7+$0xFFFFFFA0]  }
0xd5: {  	v4 =	vld [tilespmem:s7+$0xFFFFFF90]  }
0xd6: {  	v5 =	vld [tilespmem:s7+$0xFFFFFFD0]  }
0xd7: {  	v6 =	vld [tilespmem:s7+$0xFFFFFFE0]  }
0xd8: {  	v7 =	vld [tilespmem:s7+$0xFFFFFFF0];
	v1 =	vmul.f32 v1, v3  }
0xd9: {  	s13 =	simm.s32 $0x2;
	v8 =	vld [tilespmem:s7+$0xFFFFFFB0];
	v2 =	vmul.f32 v2, v3  }
0xda: {  	v63 =	vld [tilespmem:s7+$0xFFFFFFC0];
	v4 =	vmul.f32 v4, v3;
	[tilespmem:s7+$0xFFFFFF80] =	vst v1;
	v1 =	vmov s13  }
0xdb: {  	v5 =	vmul.f32 v5, v3;
	[tilespmem:s7+$0xFFFFFFA0] =	vst v2;
	v1 =	vand.u32 $0xFFFFFFFE, v1  }
0xdc: {  	v2 =	vmul.f32 v6, v3;
	[tilespmem:s7+$0xFFFFFF90] =	vst v4;
	v4 =	vbroadcast v1, $0x0  }
0xdd: {  	v6 =	vmul.f32 v7, v3;
	[tilespmem:s7+$0xFFFFFFD0] =	vst v5;
	v7 =	vld [tilespmem:s7+$0x30]  }
0xde: {  	v5 =	vmul.f32 v8, v3;
	v1 =	vld [tilespmem:s7+$0x40];
	[tilespmem:s7+$0xFFFFFFE0] =	vst v2  }
0xdf: {  	v3 =	vmul.f32 v63, v3;
	v2 =	vld [tilespmem:s7+$0x70];
	[tilespmem:s7+$0xFFFFFFF0] =	vst v6  }
0xe0: {  	[tilespmem:s7+$0xFFFFFFB0] =	vst v5;
	v5 =	vld [tilespmem:s7+$0x20]  }
0xe1: {  	[tilespmem:s7+$0xFFFFFFC0] =	vst v3;
	v6 =	vld [tilespmem:s7+$0x0]  }
0xe2: {  	v3 =	vld.idx.msk [tilespmem:v4+s29+$0x0], $0xffff  }
0xe3: {  	s11 =	simm.s32 $0x7;
	s12 =	simm.s32 $0x5680;
	s9 =	simm.s32 $0x3;
	v4 =	vld [tilespmem:s7+$0x10]  }
.LBB2_8:
0xe4: {  	p0 =	sne.s32 s11, $0x4F  }
0xe5: {  	v8 =	vld [tilespmem:s7+$0x50];
	s12 =	sadd.s32 $0x200, s12;
	s13 =	smov.u32 s11;
	s11 =	sadd.s32 $0x4, s11  }
0xe6: {  	v9 =	vld [tilespmem:s7+$0x60];
	_ =	sdelay $0x1  }
0xe7: {  	v6 =	vmul.f32 v6, v3;
	v4 =	vmul.f32 v4, v3  }
0xe8: {  	v5 =	vmul.f32 v5, v3;
	v7 =	vmul.f32 v7, v3  }
0xe9: {  	v1 =	vmul.f32 v1, v3;
	v2 =	vmul.f32 v2, v3;
	[tilespmem:s7+$0x0] =	vst v6  }
0xea: {  	[tilespmem:s7+$0x20] =	vst v5;
	v5 =	vmul.f32 v8, v3;
	v3 =	vmul.f32 v9, v3  }
0xeb: {  	[tilespmem:s7+$0x30] =	vst v7;
	v6 =	vld [tilespmem:s7+$0x80]  }
0xec: {  	[tilespmem:s7+$0x60] =	vst v3;
	v3 =	vmov s9;
	v7 =	vld [tilespmem:s7+$0xD0];
	s9 =	smov.u32 s13  }
0xed: {  	[tilespmem:s7+$0x50] =	vst v5;
	v5 =	vld [tilespmem:s7+$0xE0]  }
0xee: {  	[tilespmem:s7+$0x40] =	vst v1;
	v8 =	vld [tilespmem:s7+$0xB0]  }
0xef: {  	v1 =	vld [tilespmem:s12+$0x40];
	[tilespmem:s7+$0x70] =	vst v2  }
0xf0: {  	v2 =	vld [tilespmem:s12+$0x70];
	[tilespmem:s7+$0x10] =	vst v4  }
0xf1: {  	v3 =	vld.idx.msk [tilespmem:v3+s29+$0x0], $0xffff  }
0xf2: {  	v4 =	vld [tilespmem:s7+$0x90]  }
0xf3: {  	v9 =	vld [tilespmem:s7+$0xA0]  }
0xf4: {  	v10 =	vld [tilespmem:s7+$0xC0]  }
0xf5: {  	v11 =	vld [tilespmem:s7+$0xF0];
	_ =	sdelay $0x1  }
0xf6: {  	v6 =	vmul.f32 v6, v3;
	v4 =	vmul.f32 v4, v3  }
0xf7: {  	s13 =	sadd.s32 $0xFFFFFFFD, s9;
	v8 =	vmul.f32 v8, v3;
	v9 =	vmul.f32 v9, v3  }
0xf8: {  	v12 =	vmov s13;
	v7 =	vmul.f32 v7, v3;
	[tilespmem:s7+$0x80] =	vst v6;
	v6 =	vmul.f32 v10, v3  }
0xf9: {  	v10 =	vand.u32 $0xFFFFFFFC, v12;
	[tilespmem:s7+$0x90] =	vst v4;
	v4 =	vmul.f32 v5, v3;
	v3 =	vmul.f32 v11, v3  }
0xfa: {  	v5 =	vbroadcast v10, $0x0;
	[tilespmem:s7+$0xA0] =	vst v9  }
0xfb: {  	[tilespmem:s7+$0xD0] =	vst v7  }
0xfc: {  	v7 =	vld [tilespmem:s12+$0xFFFFFF50];
	[tilespmem:s7+$0xB0] =	vst v8  }
0xfd: {  	v8 =	vld [tilespmem:s12+$0xFFFFFF30];
	[tilespmem:s7+$0xC0] =	vst v6  }
0xfe: {  	v6 =	vld [tilespmem:s12+$0xFFFFFF60];
	[tilespmem:s7+$0xE0] =	vst v4  }
0xff: {  	v4 =	vld [tilespmem:s12+$0xFFFFFF70];
	[tilespmem:s7+$0xF0] =	vst v3;
	s7 =	smov.u32 s12  }
0x100: {  	v3 =	vld.idx.msk [tilespmem:v5+s29+$0x0], $0xffff  }
0x101: {  	v5 =	vld [tilespmem:s12+$0xFFFFFF00]  }
0x102: {  	v9 =	vld [tilespmem:s12+$0xFFFFFF20]  }
0x103: {  	v10 =	vld [tilespmem:s12+$0xFFFFFF10]  }
0x104: {  	v11 =	vld [tilespmem:s12+$0xFFFFFF40];
	_ =	sdelay $0x1  }
0x105: {  	v4 =	vmul.f32 v4, v3;
	v5 =	vmul.f32 v5, v3  }
0x106: {  	s13 =	sadd.s32 $0xFFFFFFFE, s9;
	v6 =	vmul.f32 v6, v3;
	v9 =	vmul.f32 v9, v3  }
0x107: {  	v8 =	vmul.f32 v8, v3;
	v10 =	vmul.f32 v10, v3;
	[tilespmem:s12+$0xFFFFFF70] =	vst v4;
	v4 =	vmov s13  }
0x108: {  	[tilespmem:s12+$0xFFFFFF00] =	vst v5;
	v5 =	vmul.f32 v11, v3;
	v3 =	vmul.f32 v7, v3;
	v4 =	vand.u32 $0xFFFFFFFD, v4  }
0x109: {  	[tilespmem:s12+$0xFFFFFF20] =	vst v9;
	v4 =	vbroadcast v4, $0x0  }
0x10a: {  	[tilespmem:s12+$0xFFFFFF30] =	vst v8  }
0x10b: {  	[tilespmem:s12+$0xFFFFFF50] =	vst v3;
	v3 =	vld [tilespmem:s12+$0xFFFFFFF0]  }
0x10c: {  	[tilespmem:s12+$0xFFFFFF10] =	vst v10;
	v7 =	vld [tilespmem:s12+$0xFFFFFFD0]  }
0x10d: {  	[tilespmem:s12+$0xFFFFFF60] =	vst v6;
	v6 =	vld [tilespmem:s12+$0xFFFFFFB0]  }
0x10e: {  	[tilespmem:s12+$0xFFFFFF40] =	vst v5;
	v5 =	vld [tilespmem:s12+$0xFFFFFF90]  }
0x10f: {  	v4 =	vld.idx.msk [tilespmem:v4+s29+$0x0], $0xffff  }
0x110: {  	v8 =	vld [tilespmem:s12+$0xFFFFFF80]  }
0x111: {  	v9 =	vld [tilespmem:s12+$0xFFFFFFA0]  }
0x112: {  	v10 =	vld [tilespmem:s12+$0xFFFFFFC0]  }
0x113: {  	v11 =	vld [tilespmem:s12+$0xFFFFFFE0];
	_ =	sdelay $0x1  }
0x114: {  	v5 =	vmul.f32 v5, v4;
	v8 =	vmul.f32 v8, v4  }
0x115: {  	s13 =	sadd.s32 $0xFFFFFFFF, s9;
	v6 =	vmul.f32 v6, v4;
	v9 =	vmul.f32 v9, v4  }
0x116: {  	v7 =	vmul.f32 v7, v4;
	[tilespmem:s12+$0xFFFFFF80] =	vst v8;
	v8 =	vmul.f32 v10, v4;
	v10 =	vmov s13  }
0x117: {  	v3 =	vmul.f32 v3, v4;
	[tilespmem:s12+$0xFFFFFFA0] =	vst v9;
	v9 =	vmul.f32 v11, v4;
	v4 =	vand.u32 $0xFFFFFFFE, v10  }
0x118: {  	[tilespmem:s12+$0xFFFFFF90] =	vst v5;
	v4 =	vbroadcast v4, $0x0  }
0x119: {  	[tilespmem:s12+$0xFFFFFFD0] =	vst v7  }
0x11a: {  	[tilespmem:s12+$0xFFFFFFE0] =	vst v9  }
0x11b: {  	[tilespmem:s12+$0xFFFFFFB0] =	vst v6  }
.Ltmp2:
0x11c: {  	[tilespmem:s12+$0xFFFFFFF0] =	vst v3;
	v5 =	vld [tilespmem:s12+$0x20];
	(pc) =	sbr.rel @p0 .LBB2_8-.Ltmp2, $4  }
0x11d: {  	[tilespmem:s12+$0xFFFFFFC0] =	vst v8;
	v6 =	vld [tilespmem:s12+$0x0]  }
0x11e: {  	v3 =	vld.idx.msk [tilespmem:v4+s29+$0x0], $0xffff  }
0x11f: {  	v4 =	vld [tilespmem:s12+$0x10]  }
0x120: {  	v7 =	vld [tilespmem:s12+$0x30]  }
0x121: {  	_ =	sdelay $0x1  }
0x122: {  	v8 =	vld [tilespmem:s7+$0x60];
	v6 =	vmul.f32 v6, v3  }
0x123: {  	v9 =	vld [tilespmem:s7+$0x50];
	v5 =	vmul.f32 v5, v3  }
0x124: {  	v1 =	vmul.f32 v1, v3;
	[tilespmem:s7+$0x0] =	vst v6  }
0x125: {  	v2 =	vmul.f32 v2, v3;
	[tilespmem:s7+$0x20] =	vst v5  }
0x126: {  	v7 =	vmul.f32 v7, v3;
	[tilespmem:s7+$0x40] =	vst v1  }
0x127: {  	v57 =	vmov s9;
	[tilespmem:s7+$0x70] =	vst v2;
	v54 =	vmul.f32 v8, v3  }
0x128: {  	v55 =	vmul.f32 v9, v3;
	[tilespmem:s7+$0x30] =	vst v7  }
0x129: {  	v3 =	vmul.f32 v4, v3;
	[tilespmem:s7+$0x60] =	vst v54  }
0x12a: {  	[tilespmem:s7+$0x50] =	vst v55  }
0x12b: {  	v56 =	vld [tilespmem:s7+$0x80];
	[tilespmem:s7+$0x10] =	vst v3  }
0x12c: {  	v1 =	vld.idx.msk [tilespmem:v57+s29+$0x0], $0xffff  }
0x12d: {  	v2 =	vld [tilespmem:s7+$0x90]  }
0x12e: {  	v3 =	vld [tilespmem:s7+$0xA0]  }
0x12f: {  	v58 =	vld [tilespmem:s7+$0xD0]  }
0x130: {  	v61 =	vld [tilespmem:s7+$0xE0]  }
0x131: {  	v59 =	vld [tilespmem:s7+$0xB0];
	v7 =	vmul.f32 v56, v1  }
0x132: {  	v60 =	vld [tilespmem:s7+$0xC0];
	v2 =	vmul.f32 v2, v1  }
0x133: {  	v62 =	vld [tilespmem:s7+$0xF0];
	v3 =	vmul.f32 v3, v1;
	[tilespmem:s7+$0x80] =	vst v7  }
0x134: {  	v4 =	vmul.f32 v58, v1;
	[tilespmem:s7+$0x90] =	vst v2  }
0x135: {  	v63 =	vmul.f32 v61, v1;
	[tilespmem:s7+$0xA0] =	vst v3  }
0x136: {  	v2 =	vmul.f32 v59, v1;
	[tilespmem:s7+$0xD0] =	vst v4  }
0x137: {  	v3 =	vmul.f32 v60, v1;
	[tilespmem:s7+$0xE0] =	vst v63  }
0x138: {  	s6 =	sadd.s32 $0x1, s6;
	v1 =	vmul.f32 v62, v1;
	[tilespmem:s7+$0xB0] =	vst v2  }
0x139: {  	p0 =	sne.s32 s6, $0x5;
	[tilespmem:s7+$0xC0] =	vst v3  }
.Ltmp3:
0x13a: {  	[tilespmem:s7+$0xF0] =	vst v1;
	(pc) =	sbr.rel @p0 .LBB2_7-.Ltmp3, $4  }
0x13b: {  	[spmem:s2] =	stream.indirect.scatter.add.f32 [tilespmem:s23], [sflag:$0x2], $0x80, s30, s24, $0xb8;
	[tilespmem:$0x1E500] =	vst v63  }
0x13c: {  	_ =	swait.ge [sflag:s21], $0x2800  }
0x13d: {  	[sflag:s21] =	ssyncset.done $0x0  }
0x13e: {  	[sflag:s21] =	ssyncadd.s32 $0xFFFFD800  }
0x13f: {  	s4 =	sadd.s32 $0x1, s4  }
0x140: {  	p0 =	sne.s32 s4, $0x19  }
.Ltmp4:
0x141: {  	_ = 	snop;
	(pc) =	sbr.rel @p0 .LBB2_6-.Ltmp4, $1  }
0x142: {  	_ =	sdelay $0x3  }
0x143: {  	s0 =	stileid.u32  }
0x144: {  	[bflag:$0x0] =	sbarrier.arrive $0xFFFF;
	s0 =	sshll.u32 s0, $0x6  }
0x145: {  	s4 =	sshrl.u32 s10, $0x3;
	s6 =	rddreg [dreg:$0x6];
	s0 =	sor.u32 $0x1C02, s0  }
0x146: {  	[hbm:s6], [sflag:s0] =	dma.local [spmem:s4], $0x2800  }
0x147: {  	_ =	swait.ge [sflag:s21], $0x2800  }
0x148: {  	[sflag:s21] =	ssyncset.done $0x0  }
0x149: {  	s12 =	rddreg [dreg:$0x7];
	[sflag:s21] =	ssyncadd.s32 $0xFFFFD800  }
0x14a: {  	[hbm4b:s12+s3] =	stream.linear.scatter [tilespmem:s26], [sflag:$0x2], $0x2780, $0x38;
	[tilespmem:$0x1E500] =	vst v63  }
0x14b: {  	_ =	swait.ge [sflag:s21], $0x2780  }
0x14c: {  	s31 =	sadd.s32 $0x1, s31;
	s13 =	rddreg [dreg:$0x8]  }
0x14d: {  	p0 =	sne.s32 s31, s13  }
.Ltmp5:
0x14e: {  	_ = 	snop;
	(pc) =	sbr.rel @p0 .LBB2_1-.Ltmp5, $3  }
0x14f: {  	_ =	sdelay $0x1  }
0x150: {  	[sflag:s21] =	ssyncset.done $0x0  }
0x151: {  	[sflag:s21] =	ssyncadd.s32 $0xFFFFD880  }
0x152: {  	_ =	sfence.sel $0x180000  }
0x153: {  	[bflag:$0x0] =	sbarrier.arrive $0xFFFF  }
0x154: {  	_ =	strace $0x90000047  }
0x155: {  	s0 =	stileid.u32;
	[bflag:$0x2] =	sbarrier.arrive $0xFFFF  }
0x156: {  	p0 =	sne.s32 s0, $0x0;
	s0 =	rddreg [dreg:$0x3]  }
0x157: {  	s0 =	sadd.s32 @!p0 $0x100000, s0  }
0x158: {  	[sflag:s0] =	ssyncadd.tile.s32 @!p0 $0x1;
	_ =	shalt  }
.Lfunc_end2:
_tile_overlayer_lowered:
.L_overlay_start_2:
0x159: {  	(tag) =	ssettag $0x2  }
0x15a: {  	s0 =	rddreg [dreg:$0x0];
	s2 =	stileid.u32  }
0x15b: {  	s1 =	rddreg [dreg:$0x1];
	p0 =	sne.s32 s2, $0x0  }
0x15c: {  	s3 =	rddreg [dreg:$0x2];
	[bflag:$0x3] =	sbarrier.arrive $0xFFFF;
	s2 =	simm.s32 @!p0 $0x1C02  }
0x15d: {  	[timem:s3], [sflag:s2] =	dma.local @!p0 [hbm:s0], s1  }
0x15e: {  	s0 =	simm.s32 @!p0 $0x2  }
0x15f: {  	_ =	swait.ge @!p0 [sflag:s0], s1  }
0x160: {  	s1 =	ssub.s32 @!p0 $0x0, s1;
	[sflag:s0] =	ssyncset.done @!p0 $0x0  }
0x161: {  	[sflag:s0] =	ssyncadd.s32 @!p0 s1  }
0x162: {  	[bflag:$0x3] =	sbarrier.arrive $0xFFFF  }
0x163: {  	_ =	shalt  }

</sc_bundles>
